<compile_context>
chip_gen: v7x
topology: tpu7x:2x2x1
jax: 0.10.2.dev20260603
libtpu: 0.0.44.dev20260713+nightly
codegen_flags: <defaults>
</compile_context>

<pallas_src>
import jax
import jax.numpy as jnp
from jax import lax
from jax.experimental import pallas as pl
from jax.experimental.pallas import tpu as pltpu
from jax.experimental.pallas import tpu_sc as plsc

NC = 2
NS = 16
NW = NC * NS
L = 16

VOCAB = 1000000
DIM = 64
MET_ROW = 5

B_SEQ = 4096
L_SEQ = 200
N = B_SEQ * L_SEQ
BB = B_SEQ // NW
SLAB = BB * L_SEQ

PLANE = DIM * B_SEQ
GSTRIDE = 8 * B_SEQ
TILE = 8 * 128
NGROUPS = DIM // 8


def _body(table_hbm, seq_hbm, met_hbm, out_hbm,
          seq_v, s_v, idx2, s2, rows_v, tile_v, row5_v, gsems, osems):
    wid = lax.axis_index("s") * NC + lax.axis_index("c")
    base0 = wid * SLAB

    pltpu.sync_copy(table_hbm.at[pl.ds(MET_ROW, 1), :], row5_v)
    r5 = [row5_v[0, pl.ds(q * L, L)] for q in range(DIM // L)]

    pltpu.sync_copy(seq_hbm.at[pl.ds(base0, SLAB)], seq_v)
    pltpu.sync_copy(met_hbm.at[pl.ds(base0, SLAB)], s_v)

    iota_l = lax.iota(jnp.int32, L) * L_SEQ
    dim_i = lax.iota(jnp.int32, L)
    scf = [(dim_i + q * L) * 128 for q in range(DIM // L)]

    def build(l, b):
        for g in range(BB // L):
            iv = iota_l + (g * L * L_SEQ + l)
            sv = plsc.load_gather(seq_v, [iv])
            mv = plsc.load_gather(s_v, [iv])
            keep = sv != 0
            idx2[b, pl.ds(g * L, L)] = jnp.where(keep, sv, MET_ROW)
            s2[pl.ds(b * BB + g * L, L)] = jnp.where(keep, mv, -1.0)

    def fire_gather(b):
        pltpu.async_copy(
            table_hbm.at[idx2.at[b]], rows_v.at[b], gsems.at[b])

    def wait_gather(b):
        pltpu.make_async_copy(
            table_hbm.at[idx2.at[b]], rows_v.at[b], gsems.at[b]).wait()

    def compute(b):
        bfull = jnp.full((L,), b, jnp.int32)

        def diagfn(i0, _):
            t = (i0 + dim_i) & (BB - 1)
            sd = plsc.load_gather(s2, [t + b * BB])
            boff = t + b * (DIM * 128)
            for q in range(DIM // L):
                v = plsc.load_gather(rows_v, [bfull, t, dim_i + q * L])
                plsc.store_scatter(
                    tile_v, [scf[q] + boff], v + sd * r5[q])
            return 0

        lax.fori_loop(0, BB, diagfn, 0, unroll=8)

    def out_copies(l, b):
        off = b * (DIM * 128)
        return [
            pltpu.make_async_copy(
                tile_v.at[pl.ds(off + g * TILE, TILE)],
                out_hbm.at[pl.ds(l * PLANE + g * GSTRIDE + wid * TILE,
                                 TILE)],
                osems.at[b],
            )
            for g in range(NGROUPS)
        ]

    def drain_out(b):
        pltpu.make_async_copy(
            out_hbm.at[pl.ds(0, DIM * 128)],
            tile_v.at[pl.ds(b * (DIM * 128), DIM * 128)],
            osems.at[b],
        ).wait()

    build(0, 0)
    fire_gather(0)

    def step(l, _):
        b = lax.rem(l, 2)
        nb = 1 - b

        @pl.when(l + 1 < L_SEQ)
        def _prefetch():
            @pl.when(l >= 1)
            def _drain_prev_out():
                drain_out(nb)
            build(l + 1, nb)
            fire_gather(nb)

        wait_gather(b)
        compute(b)
        for cp in out_copies(l, b):
            cp.start()
        return 0

    lax.fori_loop(0, L_SEQ, step, 0)

    drain_out(0)
    drain_out(1)


@jax.jit
def _run(table, seq_f, met_f):
    mesh = plsc.VectorSubcoreMesh(
        core_axis_name="c", subcore_axis_name="s",
        num_cores=NC, num_subcores=NS,
    )
    f = pl.kernel(
        _body,
        out_type=jax.ShapeDtypeStruct((L_SEQ * PLANE,), jnp.float32),
        mesh=mesh,
        compiler_params=pltpu.CompilerParams(
            needs_layout_passes=False, use_tc_tiling_on_sc=False,
        ),
        scratch_types=[
            pltpu.VMEM((SLAB,), jnp.int32),
            pltpu.VMEM((SLAB,), jnp.float32),
            pltpu.VMEM((2, BB), jnp.int32),
            pltpu.VMEM((2 * BB,), jnp.float32),
            pltpu.VMEM((2, BB, DIM), jnp.float32),
            pltpu.VMEM((2 * DIM * 128,), jnp.float32),
            pltpu.VMEM((1, DIM), jnp.float32),
            pltpu.SemaphoreType.DMA((2,)),
            pltpu.SemaphoreType.DMA((2,)),
        ],
    )
    return f(table, seq_f, met_f)


def kernel(seq, met, table):
    seq_f = seq.reshape(N)
    met_f = met.reshape(N)
    flat = _run(table, seq_f, met_f)
    a = flat.reshape(L_SEQ, NGROUPS, NW, 8, 128)
    a = a.transpose(2, 4, 0, 1, 3)
    return a.reshape(B_SEQ, L_SEQ, DIM)

# --- scband reference (transcript-rebuilt; emitter-appended) ---
"""Pipeline reference for scband-embedding-4569845203157 (READ-ONLY COPY).

The authoritative reference and input builder live on the scoring server;
editing this copy changes nothing except your own understanding.
"""

import jax, jax.numpy as jnp
import numpy as np

VOCAB = 1000000
DIM = 64
MASK = 0

def setup_inputs(seed: int = 0) -> dict:
    key = jax.random.key(seed)
    k1, k2, k3 = jax.random.split(key, 3)
    seq = jax.random.randint(k1, (4096, 200), 0, VOCAB, dtype=jnp.int32)
    met = jax.random.normal(k2, (4096, 200), dtype=jnp.float32)
    table = jax.random.normal(k3, (VOCAB, DIM), dtype=jnp.float32) * 0.02
    return {"seq": seq, "met": met, "table": table}

def reference(seq, met, table):
    # mask = (seq != mask_embedding), unsqueeze(1).transpose(1,2) -> [B, L, 1]
    mask = (seq != MASK).astype(jnp.float32)[:, :, None]
    # met_index = full(met.shape, 5); emb_met = embed(met_index)
    met_index = jnp.full(met.shape, 5, dtype=jnp.int32)
    seq_emb = jnp.take(table, seq, axis=0)           # [B, L, D] gather
    emb_met = jnp.take(table, met_index, axis=0)     # [B, L, D] gather of constant row
    met_scaled = met[..., None] * emb_met            # [B, L, D]
    out = seq_emb + met_scaled
    return out * mask

if __name__ == "__main__":
    import jax
    _d = setup_inputs()
    print(jax.jit(kernel)(*tuple(_d.values())))

</pallas_src>

<mosaic_0001>
#map = affine_map<(d0, d1) -> (0, 0)>
#map1 = affine_map<(d0, d1) -> (0)>
module attributes {stable_mosaic.version = 14 : i64} {
  func.func @_body(%arg0: i32, %arg1: i32, %arg2: memref<1000000x64xf32, #tpu.memory_space<hbm>>, %arg3: memref<819200xi32, #tpu.memory_space<hbm>>, %arg4: memref<819200xf32, #tpu.memory_space<hbm>>, %arg5: memref<52428800xf32, #tpu.memory_space<hbm>>, %arg6: memref<25600xi32, #tpu.memory_space<vmem>>, %arg7: memref<25600xf32, #tpu.memory_space<vmem>>, %arg8: memref<2x128xi32, #tpu.memory_space<vmem>>, %arg9: memref<256xf32, #tpu.memory_space<vmem>>, %arg10: memref<2x128x64xf32, #tpu.memory_space<vmem>>, %arg11: memref<16384xf32, #tpu.memory_space<vmem>>, %arg12: memref<1x64xf32, #tpu.memory_space<vmem>>, %arg13: memref<2x!tpu.dma_semaphore, #tpu.memory_space<semaphore_mem>>, %arg14: memref<2x!tpu.dma_semaphore, #tpu.memory_space<semaphore_mem>>) attributes {dimension_semantics = [#tpu.dimension_semantics<core_parallel>, #tpu.dimension_semantics<subcore_parallel>], iteration_bounds = array<i64: 2, 16>, scalar_prefetch = 0 : i64, scratch_operands = 9 : i64, tpu.core_type = #tpu.core_type<sc_vector_subcore>, window_params = [{transform_indices = #map}, {transform_indices = #map1}, {transform_indices = #map1}, {transform_indices = #map1}]} {
    %mul3A = arith.constant 2 : i32
    %mul3A_0 = arith.muli %arg1, %mul3A : i32
    %add3A = arith.addi %mul3A_0, %arg0 : i32
    %mul3A_1 = arith.constant 25600 : i32
    %mul3A_2 = arith.muli %add3A, %mul3A_1 : i32
    "tpu.region"() ({
      %run_scoped3A = tpu.sem_alloc : memref<!tpu.dma_semaphore, #tpu.memory_space<semaphore_mem>>
      %dma_start3A_241 = arith.constant 5 : i32
      %dma_start3A_242 = arith.constant 0 : i32
      %dma_start3A_243 = tpu.memref_slice %arg2[%dma_start3A_241, %dma_start3A_242] : memref<1000000x64xf32, #tpu.memory_space<hbm>> -> memref<1x64xf32, #tpu.memory_space<hbm>>
      %dma_start3A_244 = arith.constant 5 : i32
      %dma_start3A_245 = arith.constant 0 : i32
      %dma_start3A_246 = tpu.memref_slice %arg2[%dma_start3A_244, %dma_start3A_245] : memref<1000000x64xf32, #tpu.memory_space<hbm>> -> memref<1x64xf32, #tpu.memory_space<hbm>>
      tpu.enqueue_dma source(%dma_start3A_246 : memref<1x64xf32, #tpu.memory_space<hbm>>) target(%arg12 : memref<1x64xf32, #tpu.memory_space<vmem>>) target_semaphore(%run_scoped3A : memref<!tpu.dma_semaphore, #tpu.memory_space<semaphore_mem>>)
      %dma_wait3A_247 = arith.constant 5 : i32
      %dma_wait3A_248 = arith.constant 0 : i32
      %dma_wait3A_249 = tpu.memref_slice %arg2[%dma_wait3A_247, %dma_wait3A_248] : memref<1000000x64xf32, #tpu.memory_space<hbm>> -> memref<1x64xf32, #tpu.memory_space<hbm>>
      %dma_wait3A_250 = arith.constant 5 : i32
      %dma_wait3A_251 = arith.constant 0 : i32
      %dma_wait3A_252 = tpu.memref_slice %arg2[%dma_wait3A_250, %dma_wait3A_251] : memref<1000000x64xf32, #tpu.memory_space<hbm>> -> memref<1x64xf32, #tpu.memory_space<hbm>>
      tpu.wait_dma2 semaphore(%run_scoped3A : memref<!tpu.dma_semaphore, #tpu.memory_space<semaphore_mem>>) src(%dma_wait3A_252 : memref<1x64xf32, #tpu.memory_space<hbm>>) dst(%arg12 : memref<1x64xf32, #tpu.memory_space<vmem>>)
      tpu.yield
    }) : () -> ()
    %get3A = arith.constant 0 : i32
    %get3A_3 = arith.index_cast %get3A : i32 to index
    %get3A_4 = arith.constant 0 : index
    %get3A_5 = tpu.vector_load %arg12[%get3A_3, %get3A_4] {strides = array<i32>} : memref<1x64xf32, #tpu.memory_space<vmem>>, vector<16xf32>,
    %get3A_6 = arith.constant 0 : i32
    %get3A_7 = arith.index_cast %get3A_6 : i32 to index
    %get3A_8 = arith.constant 16 : index
    %get3A_9 = tpu.vector_load %arg12[%get3A_7, %get3A_8] {strides = array<i32>} : memref<1x64xf32, #tpu.memory_space<vmem>>, vector<16xf32>,
    %get3A_10 = arith.constant 0 : i32
    %get3A_11 = arith.index_cast %get3A_10 : i32 to index
    %get3A_12 = arith.constant 32 : index
    %get3A_13 = tpu.vector_load %arg12[%get3A_11, %get3A_12] {strides = array<i32>} : memref<1x64xf32, #tpu.memory_space<vmem>>, vector<16xf32>,
    %get3A_14 = arith.constant 0 : i32
    %get3A_15 = arith.index_cast %get3A_14 : i32 to index
    %get3A_16 = arith.constant 48 : index
    %get3A_17 = tpu.vector_load %arg12[%get3A_15, %get3A_16] {strides = array<i32>} : memref<1x64xf32, #tpu.memory_space<vmem>>, vector<16xf32>,
    "tpu.region"() ({
      %run_scoped3A = tpu.sem_alloc : memref<!tpu.dma_semaphore, #tpu.memory_space<semaphore_mem>>
      %dma_start3A_241 = tpu.memref_slice %arg3[%mul3A_2] : memref<819200xi32, #tpu.memory_space<hbm>> -> memref<25600xi32, #tpu.memory_space<hbm>>
      %dma_start3A_242 = tpu.memref_slice %arg3[%mul3A_2] : memref<819200xi32, #tpu.memory_space<hbm>> -> memref<25600xi32, #tpu.memory_space<hbm>>
      tpu.enqueue_dma source(%dma_start3A_242 : memref<25600xi32, #tpu.memory_space<hbm>>) target(%arg6 : memref<25600xi32, #tpu.memory_space<vmem>>) target_semaphore(%run_scoped3A : memref<!tpu.dma_semaphore, #tpu.memory_space<semaphore_mem>>)
      %dma_wait3A_243 = tpu.memref_slice %arg3[%mul3A_2] : memref<819200xi32, #tpu.memory_space<hbm>> -> memref<25600xi32, #tpu.memory_space<hbm>>
      %dma_wait3A_244 = tpu.memref_slice %arg3[%mul3A_2] : memref<819200xi32, #tpu.memory_space<hbm>> -> memref<25600xi32, #tpu.memory_space<hbm>>
      tpu.wait_dma2 semaphore(%run_scoped3A : memref<!tpu.dma_semaphore, #tpu.memory_space<semaphore_mem>>) src(%dma_wait3A_244 : memref<25600xi32, #tpu.memory_space<hbm>>) dst(%arg6 : memref<25600xi32, #tpu.memory_space<vmem>>)
      tpu.yield
    }) : () -> ()
    "tpu.region"() ({
      %run_scoped3A = tpu.sem_alloc : memref<!tpu.dma_semaphore, #tpu.memory_space<semaphore_mem>>
      %dma_start3A_241 = tpu.memref_slice %arg4[%mul3A_2] : memref<819200xf32, #tpu.memory_space<hbm>> -> memref<25600xf32, #tpu.memory_space<hbm>>
      %dma_start3A_242 = tpu.memref_slice %arg4[%mul3A_2] : memref<819200xf32, #tpu.memory_space<hbm>> -> memref<25600xf32, #tpu.memory_space<hbm>>
      tpu.enqueue_dma source(%dma_start3A_242 : memref<25600xf32, #tpu.memory_space<hbm>>) target(%arg7 : memref<25600xf32, #tpu.memory_space<vmem>>) target_semaphore(%run_scoped3A : memref<!tpu.dma_semaphore, #tpu.memory_space<semaphore_mem>>)
      %dma_wait3A_243 = tpu.memref_slice %arg4[%mul3A_2] : memref<819200xf32, #tpu.memory_space<hbm>> -> memref<25600xf32, #tpu.memory_space<hbm>>
      %dma_wait3A_244 = tpu.memref_slice %arg4[%mul3A_2] : memref<819200xf32, #tpu.memory_space<hbm>> -> memref<25600xf32, #tpu.memory_space<hbm>>
      tpu.wait_dma2 semaphore(%run_scoped3A : memref<!tpu.dma_semaphore, #tpu.memory_space<semaphore_mem>>) src(%dma_wait3A_244 : memref<25600xf32, #tpu.memory_space<hbm>>) dst(%arg7 : memref<25600xf32, #tpu.memory_space<vmem>>)
      tpu.yield
    }) : () -> ()
    %iota3A = tpu.iota {dimensions = array<i32: 0>} : vector<16xi32>
    %mul3A_18 = arith.constant 200 : i32
    %mul3A_19 = vector.broadcast %mul3A_18 : i32 to vector<16xi32>
    %mul3A_20 = arith.muli %iota3A, %mul3A_19 : vector<16xi32>
    %iota3A_21 = tpu.iota {dimensions = array<i32: 0>} : vector<16xi32>
    %add3A_22 = arith.constant 0 : i32
    %add3A_23 = vector.broadcast %add3A_22 : i32 to vector<16xi32>
    %add3A_24 = arith.addi %iota3A_21, %add3A_23 : vector<16xi32>
    %mul3A_25 = arith.constant 128 : i32
    %mul3A_26 = vector.broadcast %mul3A_25 : i32 to vector<16xi32>
    %mul3A_27 = arith.muli %add3A_24, %mul3A_26 : vector<16xi32>
    %add3A_28 = arith.constant 16 : i32
    %add3A_29 = vector.broadcast %add3A_28 : i32 to vector<16xi32>
    %add3A_30 = arith.addi %iota3A_21, %add3A_29 : vector<16xi32>
    %mul3A_31 = arith.constant 128 : i32
    %mul3A_32 = vector.broadcast %mul3A_31 : i32 to vector<16xi32>
    %mul3A_33 = arith.muli %add3A_30, %mul3A_32 : vector<16xi32>
    %add3A_34 = arith.constant 32 : i32
    %add3A_35 = vector.broadcast %add3A_34 : i32 to vector<16xi32>
    %add3A_36 = arith.addi %iota3A_21, %add3A_35 : vector<16xi32>
    %mul3A_37 = arith.constant 128 : i32
    %mul3A_38 = vector.broadcast %mul3A_37 : i32 to vector<16xi32>
    %mul3A_39 = arith.muli %add3A_36, %mul3A_38 : vector<16xi32>
    %add3A_40 = arith.constant 48 : i32
    %add3A_41 = vector.broadcast %add3A_40 : i32 to vector<16xi32>
    %add3A_42 = arith.addi %iota3A_21, %add3A_41 : vector<16xi32>
    %mul3A_43 = arith.constant 128 : i32
    %mul3A_44 = vector.broadcast %mul3A_43 : i32 to vector<16xi32>
    %mul3A_45 = arith.muli %add3A_42, %mul3A_44 : vector<16xi32>
    %add3A_46 = arith.constant 0 : i32
    %add3A_47 = vector.broadcast %add3A_46 : i32 to vector<16xi32>
    %add3A_48 = arith.addi %mul3A_20, %add3A_47 : vector<16xi32>
    %gather3A = tpu.vector_load_idx %arg6[%add3A_48] : memref<25600xi32, #tpu.memory_space<vmem>>[vector<16xi32>], vector<16xi32>,
    %gather3A_49 = tpu.vector_load_idx %arg7[%add3A_48] : memref<25600xf32, #tpu.memory_space<vmem>>[vector<16xi32>], vector<16xf32>,
    %ne3A = arith.constant 0 : i32
    %ne3A_50 = vector.broadcast %ne3A : i32 to vector<16xi32>
    %ne3A_51 = arith.cmpi ne, %gather3A, %ne3A_50 : vector<16xi32>
    %jit3A = arith.constant 5 : i32
    %broadcast_in_dim3A = vector.broadcast %jit3A : i32 to vector<16xi32>
    %select_n3A = arith.select %ne3A_51, %gather3A, %broadcast_in_dim3A : vector<16xi1>, vector<16xi32>
    %swap3A = arith.constant 0 : i32
    %swap3A_52 = arith.index_cast %swap3A : i32 to index
    %swap3A_53 = arith.constant 0 : index
    %swap3A_54 = tpu.vector_load %arg8[%swap3A_52, %swap3A_53] {strides = array<i32>} : memref<2x128xi32, #tpu.memory_space<vmem>>, vector<16xi32>,
    tpu.vector_store %arg8[%swap3A_52, %swap3A_53], %select_n3A {strides = array<i32>} : memref<2x128xi32, #tpu.memory_space<vmem>>, vector<16xi32>,
    %jit3A_55 = arith.constant -1.000000e+00 : f32
    %broadcast_in_dim3A_56 = vector.broadcast %jit3A_55 : f32 to vector<16xf32>
    %select_n3A_57 = arith.select %ne3A_51, %gather3A_49, %broadcast_in_dim3A_56 : vector<16xi1>, vector<16xf32>
    %swap3A_58 = arith.constant 0 : index
    %swap3A_59 = tpu.vector_load %arg9[%swap3A_58] {strides = array<i32>} : memref<256xf32, #tpu.memory_space<vmem>>, vector<16xf32>,
    tpu.vector_store %arg9[%swap3A_58], %select_n3A_57 {strides = array<i32>} : memref<256xf32, #tpu.memory_space<vmem>>, vector<16xf32>,
    %add3A_60 = arith.constant 3200 : i32
    %add3A_61 = vector.broadcast %add3A_60 : i32 to vector<16xi32>
    %add3A_62 = arith.addi %mul3A_20, %add3A_61 : vector<16xi32>
    %gather3A_63 = tpu.vector_load_idx %arg6[%add3A_62] : memref<25600xi32, #tpu.memory_space<vmem>>[vector<16xi32>], vector<16xi32>,
    %gather3A_64 = tpu.vector_load_idx %arg7[%add3A_62] : memref<25600xf32, #tpu.memory_space<vmem>>[vector<16xi32>], vector<16xf32>,
    %ne3A_65 = arith.constant 0 : i32
    %ne3A_66 = vector.broadcast %ne3A_65 : i32 to vector<16xi32>
    %ne3A_67 = arith.cmpi ne, %gather3A_63, %ne3A_66 : vector<16xi32>
    %jit3A_68 = arith.constant 5 : i32
    %broadcast_in_dim3A_69 = vector.broadcast %jit3A_68 : i32 to vector<16xi32>
    %select_n3A_70 = arith.select %ne3A_67, %gather3A_63, %broadcast_in_dim3A_69 : vector<16xi1>, vector<16xi32>
    %swap3A_71 = arith.constant 0 : i32
    %swap3A_72 = arith.index_cast %swap3A_71 : i32 to index
    %swap3A_73 = arith.constant 16 : index
    %swap3A_74 = tpu.vector_load %arg8[%swap3A_72, %swap3A_73] {strides = array<i32>} : memref<2x128xi32, #tpu.memory_space<vmem>>, vector<16xi32>,
    tpu.vector_store %arg8[%swap3A_72, %swap3A_73], %select_n3A_70 {strides = array<i32>} : memref<2x128xi32, #tpu.memory_space<vmem>>, vector<16xi32>,
    %jit3A_75 = arith.constant -1.000000e+00 : f32
    %broadcast_in_dim3A_76 = vector.broadcast %jit3A_75 : f32 to vector<16xf32>
    %select_n3A_77 = arith.select %ne3A_67, %gather3A_64, %broadcast_in_dim3A_76 : vector<16xi1>, vector<16xf32>
    %swap3A_78 = arith.constant 16 : index
    %swap3A_79 = tpu.vector_load %arg9[%swap3A_78] {strides = array<i32>} : memref<256xf32, #tpu.memory_space<vmem>>, vector<16xf32>,
    tpu.vector_store %arg9[%swap3A_78], %select_n3A_77 {strides = array<i32>} : memref<256xf32, #tpu.memory_space<vmem>>, vector<16xf32>,
    %add3A_80 = arith.constant 6400 : i32
    %add3A_81 = vector.broadcast %add3A_80 : i32 to vector<16xi32>
    %add3A_82 = arith.addi %mul3A_20, %add3A_81 : vector<16xi32>
    %gather3A_83 = tpu.vector_load_idx %arg6[%add3A_82] : memref<25600xi32, #tpu.memory_space<vmem>>[vector<16xi32>], vector<16xi32>,
    %gather3A_84 = tpu.vector_load_idx %arg7[%add3A_82] : memref<25600xf32, #tpu.memory_space<vmem>>[vector<16xi32>], vector<16xf32>,
    %ne3A_85 = arith.constant 0 : i32
    %ne3A_86 = vector.broadcast %ne3A_85 : i32 to vector<16xi32>
    %ne3A_87 = arith.cmpi ne, %gather3A_83, %ne3A_86 : vector<16xi32>
    %jit3A_88 = arith.constant 5 : i32
    %broadcast_in_dim3A_89 = vector.broadcast %jit3A_88 : i32 to vector<16xi32>
    %select_n3A_90 = arith.select %ne3A_87, %gather3A_83, %broadcast_in_dim3A_89 : vector<16xi1>, vector<16xi32>
    %swap3A_91 = arith.constant 0 : i32
    %swap3A_92 = arith.index_cast %swap3A_91 : i32 to index
    %swap3A_93 = arith.constant 32 : index
    %swap3A_94 = tpu.vector_load %arg8[%swap3A_92, %swap3A_93] {strides = array<i32>} : memref<2x128xi32, #tpu.memory_space<vmem>>, vector<16xi32>,
    tpu.vector_store %arg8[%swap3A_92, %swap3A_93], %select_n3A_90 {strides = array<i32>} : memref<2x128xi32, #tpu.memory_space<vmem>>, vector<16xi32>,
    %jit3A_95 = arith.constant -1.000000e+00 : f32
    %broadcast_in_dim3A_96 = vector.broadcast %jit3A_95 : f32 to vector<16xf32>
    %select_n3A_97 = arith.select %ne3A_87, %gather3A_84, %broadcast_in_dim3A_96 : vector<16xi1>, vector<16xf32>
    %swap3A_98 = arith.constant 32 : index
    %swap3A_99 = tpu.vector_load %arg9[%swap3A_98] {strides = array<i32>} : memref<256xf32, #tpu.memory_space<vmem>>, vector<16xf32>,
    tpu.vector_store %arg9[%swap3A_98], %select_n3A_97 {strides = array<i32>} : memref<256xf32, #tpu.memory_space<vmem>>, vector<16xf32>,
    %add3A_100 = arith.constant 9600 : i32
    %add3A_101 = vector.broadcast %add3A_100 : i32 to vector<16xi32>
    %add3A_102 = arith.addi %mul3A_20, %add3A_101 : vector<16xi32>
    %gather3A_103 = tpu.vector_load_idx %arg6[%add3A_102] : memref<25600xi32, #tpu.memory_space<vmem>>[vector<16xi32>], vector<16xi32>,
    %gather3A_104 = tpu.vector_load_idx %arg7[%add3A_102] : memref<25600xf32, #tpu.memory_space<vmem>>[vector<16xi32>], vector<16xf32>,
    %ne3A_105 = arith.constant 0 : i32
    %ne3A_106 = vector.broadcast %ne3A_105 : i32 to vector<16xi32>
    %ne3A_107 = arith.cmpi ne, %gather3A_103, %ne3A_106 : vector<16xi32>
    %jit3A_108 = arith.constant 5 : i32
    %broadcast_in_dim3A_109 = vector.broadcast %jit3A_108 : i32 to vector<16xi32>
    %select_n3A_110 = arith.select %ne3A_107, %gather3A_103, %broadcast_in_dim3A_109 : vector<16xi1>, vector<16xi32>
    %swap3A_111 = arith.constant 0 : i32
    %swap3A_112 = arith.index_cast %swap3A_111 : i32 to index
    %swap3A_113 = arith.constant 48 : index
    %swap3A_114 = tpu.vector_load %arg8[%swap3A_112, %swap3A_113] {strides = array<i32>} : memref<2x128xi32, #tpu.memory_space<vmem>>, vector<16xi32>,
    tpu.vector_store %arg8[%swap3A_112, %swap3A_113], %select_n3A_110 {strides = array<i32>} : memref<2x128xi32, #tpu.memory_space<vmem>>, vector<16xi32>,
    %jit3A_115 = arith.constant -1.000000e+00 : f32
    %broadcast_in_dim3A_116 = vector.broadcast %jit3A_115 : f32 to vector<16xf32>
    %select_n3A_117 = arith.select %ne3A_107, %gather3A_104, %broadcast_in_dim3A_116 : vector<16xi1>, vector<16xf32>
    %swap3A_118 = arith.constant 48 : index
    %swap3A_119 = tpu.vector_load %arg9[%swap3A_118] {strides = array<i32>} : memref<256xf32, #tpu.memory_space<vmem>>, vector<16xf32>,
    tpu.vector_store %arg9[%swap3A_118], %select_n3A_117 {strides = array<i32>} : memref<256xf32, #tpu.memory_space<vmem>>, vector<16xf32>,
    %add3A_120 = arith.constant 12800 : i32
    %add3A_121 = vector.broadcast %add3A_120 : i32 to vector<16xi32>
    %add3A_122 = arith.addi %mul3A_20, %add3A_121 : vector<16xi32>
    %gather3A_123 = tpu.vector_load_idx %arg6[%add3A_122] : memref<25600xi32, #tpu.memory_space<vmem>>[vector<16xi32>], vector<16xi32>,
    %gather3A_124 = tpu.vector_load_idx %arg7[%add3A_122] : memref<25600xf32, #tpu.memory_space<vmem>>[vector<16xi32>], vector<16xf32>,
    %ne3A_125 = arith.constant 0 : i32
    %ne3A_126 = vector.broadcast %ne3A_125 : i32 to vector<16xi32>
    %ne3A_127 = arith.cmpi ne, %gather3A_123, %ne3A_126 : vector<16xi32>
    %jit3A_128 = arith.constant 5 : i32
    %broadcast_in_dim3A_129 = vector.broadcast %jit3A_128 : i32 to vector<16xi32>
    %select_n3A_130 = arith.select %ne3A_127, %gather3A_123, %broadcast_in_dim3A_129 : vector<16xi1>, vector<16xi32>
    %swap3A_131 = arith.constant 0 : i32
    %swap3A_132 = arith.index_cast %swap3A_131 : i32 to index
    %swap3A_133 = arith.constant 64 : index
    %swap3A_134 = tpu.vector_load %arg8[%swap3A_132, %swap3A_133] {strides = array<i32>} : memref<2x128xi32, #tpu.memory_space<vmem>>, vector<16xi32>,
    tpu.vector_store %arg8[%swap3A_132, %swap3A_133], %select_n3A_130 {strides = array<i32>} : memref<2x128xi32, #tpu.memory_space<vmem>>, vector<16xi32>,
    %jit3A_135 = arith.constant -1.000000e+00 : f32
    %broadcast_in_dim3A_136 = vector.broadcast %jit3A_135 : f32 to vector<16xf32>
    %select_n3A_137 = arith.select %ne3A_127, %gather3A_124, %broadcast_in_dim3A_136 : vector<16xi1>, vector<16xf32>
    %swap3A_138 = arith.constant 64 : index
    %swap3A_139 = tpu.vector_load %arg9[%swap3A_138] {strides = array<i32>} : memref<256xf32, #tpu.memory_space<vmem>>, vector<16xf32>,
    tpu.vector_store %arg9[%swap3A_138], %select_n3A_137 {strides = array<i32>} : memref<256xf32, #tpu.memory_space<vmem>>, vector<16xf32>,
    %add3A_140 = arith.constant 16000 : i32
    %add3A_141 = vector.broadcast %add3A_140 : i32 to vector<16xi32>
    %add3A_142 = arith.addi %mul3A_20, %add3A_141 : vector<16xi32>
    %gather3A_143 = tpu.vector_load_idx %arg6[%add3A_142] : memref<25600xi32, #tpu.memory_space<vmem>>[vector<16xi32>], vector<16xi32>,
    %gather3A_144 = tpu.vector_load_idx %arg7[%add3A_142] : memref<25600xf32, #tpu.memory_space<vmem>>[vector<16xi32>], vector<16xf32>,
    %ne3A_145 = arith.constant 0 : i32
    %ne3A_146 = vector.broadcast %ne3A_145 : i32 to vector<16xi32>
    %ne3A_147 = arith.cmpi ne, %gather3A_143, %ne3A_146 : vector<16xi32>
    %jit3A_148 = arith.constant 5 : i32
    %broadcast_in_dim3A_149 = vector.broadcast %jit3A_148 : i32 to vector<16xi32>
    %select_n3A_150 = arith.select %ne3A_147, %gather3A_143, %broadcast_in_dim3A_149 : vector<16xi1>, vector<16xi32>
    %swap3A_151 = arith.constant 0 : i32
    %swap3A_152 = arith.index_cast %swap3A_151 : i32 to index
    %swap3A_153 = arith.constant 80 : index
    %swap3A_154 = tpu.vector_load %arg8[%swap3A_152, %swap3A_153] {strides = array<i32>} : memref<2x128xi32, #tpu.memory_space<vmem>>, vector<16xi32>,
    tpu.vector_store %arg8[%swap3A_152, %swap3A_153], %select_n3A_150 {strides = array<i32>} : memref<2x128xi32, #tpu.memory_space<vmem>>, vector<16xi32>,
    %jit3A_155 = arith.constant -1.000000e+00 : f32
    %broadcast_in_dim3A_156 = vector.broadcast %jit3A_155 : f32 to vector<16xf32>
    %select_n3A_157 = arith.select %ne3A_147, %gather3A_144, %broadcast_in_dim3A_156 : vector<16xi1>, vector<16xf32>
    %swap3A_158 = arith.constant 80 : index
    %swap3A_159 = tpu.vector_load %arg9[%swap3A_158] {strides = array<i32>} : memref<256xf32, #tpu.memory_space<vmem>>, vector<16xf32>,
    tpu.vector_store %arg9[%swap3A_158], %select_n3A_157 {strides = array<i32>} : memref<256xf32, #tpu.memory_space<vmem>>, vector<16xf32>,
    %add3A_160 = arith.constant 19200 : i32
    %add3A_161 = vector.broadcast %add3A_160 : i32 to vector<16xi32>
    %add3A_162 = arith.addi %mul3A_20, %add3A_161 : vector<16xi32>
    %gather3A_163 = tpu.vector_load_idx %arg6[%add3A_162] : memref<25600xi32, #tpu.memory_space<vmem>>[vector<16xi32>], vector<16xi32>,
    %gather3A_164 = tpu.vector_load_idx %arg7[%add3A_162] : memref<25600xf32, #tpu.memory_space<vmem>>[vector<16xi32>], vector<16xf32>,
    %ne3A_165 = arith.constant 0 : i32
    %ne3A_166 = vector.broadcast %ne3A_165 : i32 to vector<16xi32>
    %ne3A_167 = arith.cmpi ne, %gather3A_163, %ne3A_166 : vector<16xi32>
    %jit3A_168 = arith.constant 5 : i32
    %broadcast_in_dim3A_169 = vector.broadcast %jit3A_168 : i32 to vector<16xi32>
    %select_n3A_170 = arith.select %ne3A_167, %gather3A_163, %broadcast_in_dim3A_169 : vector<16xi1>, vector<16xi32>
    %swap3A_171 = arith.constant 0 : i32
    %swap3A_172 = arith.index_cast %swap3A_171 : i32 to index
    %swap3A_173 = arith.constant 96 : index
    %swap3A_174 = tpu.vector_load %arg8[%swap3A_172, %swap3A_173] {strides = array<i32>} : memref<2x128xi32, #tpu.memory_space<vmem>>, vector<16xi32>,
    tpu.vector_store %arg8[%swap3A_172, %swap3A_173], %select_n3A_170 {strides = array<i32>} : memref<2x128xi32, #tpu.memory_space<vmem>>, vector<16xi32>,
    %jit3A_175 = arith.constant -1.000000e+00 : f32
    %broadcast_in_dim3A_176 = vector.broadcast %jit3A_175 : f32 to vector<16xf32>
    %select_n3A_177 = arith.select %ne3A_167, %gather3A_164, %broadcast_in_dim3A_176 : vector<16xi1>, vector<16xf32>
    %swap3A_178 = arith.constant 96 : index
    %swap3A_179 = tpu.vector_load %arg9[%swap3A_178] {strides = array<i32>} : memref<256xf32, #tpu.memory_space<vmem>>, vector<16xf32>,
    tpu.vector_store %arg9[%swap3A_178], %select_n3A_177 {strides = array<i32>} : memref<256xf32, #tpu.memory_space<vmem>>, vector<16xf32>,
    %add3A_180 = arith.constant 22400 : i32
    %add3A_181 = vector.broadcast %add3A_180 : i32 to vector<16xi32>
    %add3A_182 = arith.addi %mul3A_20, %add3A_181 : vector<16xi32>
    %gather3A_183 = tpu.vector_load_idx %arg6[%add3A_182] : memref<25600xi32, #tpu.memory_space<vmem>>[vector<16xi32>], vector<16xi32>,
    %gather3A_184 = tpu.vector_load_idx %arg7[%add3A_182] : memref<25600xf32, #tpu.memory_space<vmem>>[vector<16xi32>], vector<16xf32>,
    %ne3A_185 = arith.constant 0 : i32
    %ne3A_186 = vector.broadcast %ne3A_185 : i32 to vector<16xi32>
    %ne3A_187 = arith.cmpi ne, %gather3A_183, %ne3A_186 : vector<16xi32>
    %jit3A_188 = arith.constant 5 : i32
    %broadcast_in_dim3A_189 = vector.broadcast %jit3A_188 : i32 to vector<16xi32>
    %select_n3A_190 = arith.select %ne3A_187, %gather3A_183, %broadcast_in_dim3A_189 : vector<16xi1>, vector<16xi32>
    %swap3A_191 = arith.constant 0 : i32
    %swap3A_192 = arith.index_cast %swap3A_191 : i32 to index
    %swap3A_193 = arith.constant 112 : index
    %swap3A_194 = tpu.vector_load %arg8[%swap3A_192, %swap3A_193] {strides = array<i32>} : memref<2x128xi32, #tpu.memory_space<vmem>>, vector<16xi32>,
    tpu.vector_store %arg8[%swap3A_192, %swap3A_193], %select_n3A_190 {strides = array<i32>} : memref<2x128xi32, #tpu.memory_space<vmem>>, vector<16xi32>,
    %jit3A_195 = arith.constant -1.000000e+00 : f32
    %broadcast_in_dim3A_196 = vector.broadcast %jit3A_195 : f32 to vector<16xf32>
    %select_n3A_197 = arith.select %ne3A_187, %gather3A_184, %broadcast_in_dim3A_196 : vector<16xi1>, vector<16xf32>
    %swap3A_198 = arith.constant 112 : index
    %swap3A_199 = tpu.vector_load %arg9[%swap3A_198] {strides = array<i32>} : memref<256xf32, #tpu.memory_space<vmem>>, vector<16xf32>,
    tpu.vector_store %arg9[%swap3A_198], %select_n3A_197 {strides = array<i32>} : memref<256xf32, #tpu.memory_space<vmem>>, vector<16xf32>,
    %dma_start3A = arith.constant 0 : i32
    %dma_start3A_200 = arith.constant 0 : i32
    %dma_start3A_201 = arith.constant 0 : i32
    %dma_start3A_202 = arith.constant 0 : i32
    %dma_start3A_203 = arith.constant 0 : i32
    %dma_start3A_204 = tpu.memref_slice %arg10[%dma_start3A_200, %dma_start3A_202, %dma_start3A_203] : memref<2x128x64xf32, #tpu.memory_space<vmem>> -> memref<1x128x64xf32, #tpu.memory_space<vmem>>
    %dma_start3A_205 = tpu.memref_squeeze %dma_start3A_204 : memref<1x128x64xf32, #tpu.memory_space<vmem>> -> memref<128x64xf32, #tpu.memory_space<vmem>>
    %dma_start3A_206 = arith.constant 0 : i32
    %dma_start3A_207 = tpu.memref_slice %arg8[%dma_start3A, %dma_start3A_206] : memref<2x128xi32, #tpu.memory_space<vmem>> -> memref<1x128xi32, #tpu.memory_space<vmem>>
    %dma_start3A_208 = tpu.memref_squeeze %dma_start3A_207 : memref<1x128xi32, #tpu.memory_space<vmem>> -> memref<128xi32, #tpu.memory_space<vmem>>
    %dma_start3A_209 = arith.constant 0 : i32
    %dma_start3A_210 = arith.constant 0 : i32
    %dma_start3A_211 = tpu.memref_slice %arg2[%dma_start3A_209, %dma_start3A_210] : memref<1000000x64xf32, #tpu.memory_space<hbm>> -> memref<1000000x64xf32, #tpu.memory_space<hbm>>
    %dma_start3A_212 = tpu.memref_slice %arg13[%dma_start3A_201] : memref<2x!tpu.dma_semaphore, #tpu.memory_space<semaphore_mem>> -> memref<1x!tpu.dma_semaphore, #tpu.memory_space<semaphore_mem>>
    %dma_start3A_213 = tpu.memref_squeeze %dma_start3A_212 : memref<1x!tpu.dma_semaphore, #tpu.memory_space<semaphore_mem>> -> memref<!tpu.dma_semaphore, #tpu.memory_space<semaphore_mem>>
    tpu.enqueue_indirect_dma source(%dma_start3A_211 : memref<1000000x64xf32, #tpu.memory_space<hbm>>) target(%dma_start3A_205 : memref<128x64xf32, #tpu.memory_space<vmem>>) offsets(%dma_start3A_208 : memref<128xi32, #tpu.memory_space<vmem>>) semaphore(%dma_start3A_213 : memref<!tpu.dma_semaphore, #tpu.memory_space<semaphore_mem>>)
    %scan3A = arith.constant 0 : i32
    %scan3A_214 = arith.constant 0 : i32
    %scan3A_215 = arith.constant 200 : i32
    %scan3A_216 = arith.addi %scan3A_214, %scan3A_215 : i32
    %scan3A_217 = arith.constant 1 : i32
    %scan3A_218 = scf.for %scan3A_241 = %scan3A_214 to %scan3A_216 step %scan3A_217 iter_args(%scan3A_242 = %scan3A) -> (i32)  : i32 {
      %rem3A = arith.constant 2 : i32
      %rem3A_243 = arith.remsi %scan3A_241, %rem3A : i32
      %sub3A = arith.constant 1 : i32
      %sub3A_244 = arith.subi %sub3A, %rem3A_243 : i32
      %add3A_245 = arith.constant 1 : i32
      %add3A_246 = arith.addi %scan3A_241, %add3A_245 : i32
      %lt3A = arith.constant 200 : i32
      %lt3A_247 = arith.cmpi slt, %add3A_246, %lt3A : i32
      %convert_element_type3A = arith.extui %lt3A_247 : i1 to i32
      %cond3A = arith.constant 0 : i32
      %cond3A_248 = arith.cmpi ne, %convert_element_type3A, %cond3A : i32
      scf.if %cond3A_248 {
        %ge3A = arith.constant 1 : i32
        %ge3A_392 = arith.cmpi sge, %scan3A_241, %ge3A : i32
        %convert_element_type3A_393 = arith.extui %ge3A_392 : i1 to i32
        %cond3A_394 = arith.constant 0 : i32
        %cond3A_395 = arith.cmpi ne, %convert_element_type3A_393, %cond3A_394 : i32
        scf.if %cond3A_395 {
          %mul3A_602 = arith.constant 8192 : i32
          %mul3A_603 = arith.muli %sub3A_244, %mul3A_602 : i32
          %dma_wait3A_604 = tpu.memref_slice %arg11[%mul3A_603] : memref<16384xf32, #tpu.memory_space<vmem>> -> memref<8192xf32, #tpu.memory_space<vmem>>
          %dma_wait3A_605 = arith.constant 0 : i32
          %dma_wait3A_606 = tpu.memref_slice %arg5[%dma_wait3A_605] : memref<52428800xf32, #tpu.memory_space<hbm>> -> memref<8192xf32, #tpu.memory_space<hbm>>
          %dma_wait3A_607 = tpu.memref_slice %arg14[%sub3A_244] : memref<2x!tpu.dma_semaphore, #tpu.memory_space<semaphore_mem>> -> memref<1x!tpu.dma_semaphore, #tpu.memory_space<semaphore_mem>>
          %dma_wait3A_608 = tpu.memref_squeeze %dma_wait3A_607 : memref<1x!tpu.dma_semaphore, #tpu.memory_space<semaphore_mem>> -> memref<!tpu.dma_semaphore, #tpu.memory_space<semaphore_mem>>
          %dma_wait3A_609 = tpu.memref_slice %arg11[%mul3A_603] : memref<16384xf32, #tpu.memory_space<vmem>> -> memref<8192xf32, #tpu.memory_space<vmem>>
          %dma_wait3A_610 = arith.constant 0 : i32
          %dma_wait3A_611 = tpu.memref_slice %arg5[%dma_wait3A_610] : memref<52428800xf32, #tpu.memory_space<hbm>> -> memref<8192xf32, #tpu.memory_space<hbm>>
          tpu.wait_dma2 semaphore(%dma_wait3A_608 : memref<!tpu.dma_semaphore, #tpu.memory_space<semaphore_mem>>) src(%dma_wait3A_611 : memref<8192xf32, #tpu.memory_space<hbm>>) dst(%dma_wait3A_609 : memref<8192xf32, #tpu.memory_space<vmem>>)
        } else {
        }
        %add3A_396 = arith.constant 1 : i32
        %add3A_397 = arith.addi %scan3A_241, %add3A_396 : i32
        %add3A_398 = arith.constant 0 : i32
        %add3A_399 = arith.addi %add3A_398, %add3A_397 : i32
        %add3A_400 = vector.broadcast %add3A_399 : i32 to vector<16xi32>
        %add3A_401 = arith.addi %mul3A_20, %add3A_400 : vector<16xi32>
        %gather3A_402 = tpu.vector_load_idx %arg6[%add3A_401] : memref<25600xi32, #tpu.memory_space<vmem>>[vector<16xi32>], vector<16xi32>,
        %gather3A_403 = tpu.vector_load_idx %arg7[%add3A_401] : memref<25600xf32, #tpu.memory_space<vmem>>[vector<16xi32>], vector<16xf32>,
        %ne3A_404 = arith.constant 0 : i32
        %ne3A_405 = vector.broadcast %ne3A_404 : i32 to vector<16xi32>
        %ne3A_406 = arith.cmpi ne, %gather3A_402, %ne3A_405 : vector<16xi32>
        %jit3A_407 = arith.constant 5 : i32
        %broadcast_in_dim3A_408 = vector.broadcast %jit3A_407 : i32 to vector<16xi32>
        %select_n3A_409 = arith.select %ne3A_406, %gather3A_402, %broadcast_in_dim3A_408 : vector<16xi1>, vector<16xi32>
        %swap3A_410 = arith.index_cast %sub3A_244 : i32 to index
        %swap3A_411 = arith.constant 0 : index
        %swap3A_412 = tpu.vector_load %arg8[%swap3A_410, %swap3A_411] {strides = array<i32>} : memref<2x128xi32, #tpu.memory_space<vmem>>, vector<16xi32>,
        tpu.vector_store %arg8[%swap3A_410, %swap3A_411], %select_n3A_409 {strides = array<i32>} : memref<2x128xi32, #tpu.memory_space<vmem>>, vector<16xi32>,
        %jit3A_413 = arith.constant -1.000000e+00 : f32
        %broadcast_in_dim3A_414 = vector.broadcast %jit3A_413 : f32 to vector<16xf32>
        %select_n3A_415 = arith.select %ne3A_406, %gather3A_403, %broadcast_in_dim3A_414 : vector<16xi1>, vector<16xf32>
        %mul3A_416 = arith.constant 128 : i32
        %mul3A_417 = arith.muli %sub3A_244, %mul3A_416 : i32
        %add3A_418 = arith.constant 0 : i32
        %add3A_419 = arith.addi %mul3A_417, %add3A_418 : i32
        %swap3A_420 = arith.index_cast %add3A_419 : i32 to index
        %swap3A_421 = tpu.vector_load %arg9[%swap3A_420] {strides = array<i32>} : memref<256xf32, #tpu.memory_space<vmem>>, vector<16xf32>,
        tpu.vector_store %arg9[%swap3A_420], %select_n3A_415 {strides = array<i32>} : memref<256xf32, #tpu.memory_space<vmem>>, vector<16xf32>,
        %add3A_422 = arith.constant 3200 : i32
        %add3A_423 = arith.addi %add3A_422, %add3A_397 : i32
        %add3A_424 = vector.broadcast %add3A_423 : i32 to vector<16xi32>
        %add3A_425 = arith.addi %mul3A_20, %add3A_424 : vector<16xi32>
        %gather3A_426 = tpu.vector_load_idx %arg6[%add3A_425] : memref<25600xi32, #tpu.memory_space<vmem>>[vector<16xi32>], vector<16xi32>,
        %gather3A_427 = tpu.vector_load_idx %arg7[%add3A_425] : memref<25600xf32, #tpu.memory_space<vmem>>[vector<16xi32>], vector<16xf32>,
        %ne3A_428 = arith.constant 0 : i32
        %ne3A_429 = vector.broadcast %ne3A_428 : i32 to vector<16xi32>
        %ne3A_430 = arith.cmpi ne, %gather3A_426, %ne3A_429 : vector<16xi32>
        %jit3A_431 = arith.constant 5 : i32
        %broadcast_in_dim3A_432 = vector.broadcast %jit3A_431 : i32 to vector<16xi32>
        %select_n3A_433 = arith.select %ne3A_430, %gather3A_426, %broadcast_in_dim3A_432 : vector<16xi1>, vector<16xi32>
        %swap3A_434 = arith.index_cast %sub3A_244 : i32 to index
        %swap3A_435 = arith.constant 16 : index
        %swap3A_436 = tpu.vector_load %arg8[%swap3A_434, %swap3A_435] {strides = array<i32>} : memref<2x128xi32, #tpu.memory_space<vmem>>, vector<16xi32>,
        tpu.vector_store %arg8[%swap3A_434, %swap3A_435], %select_n3A_433 {strides = array<i32>} : memref<2x128xi32, #tpu.memory_space<vmem>>, vector<16xi32>,
        %jit3A_437 = arith.constant -1.000000e+00 : f32
        %broadcast_in_dim3A_438 = vector.broadcast %jit3A_437 : f32 to vector<16xf32>
        %select_n3A_439 = arith.select %ne3A_430, %gather3A_427, %broadcast_in_dim3A_438 : vector<16xi1>, vector<16xf32>
        %mul3A_440 = arith.constant 128 : i32
        %mul3A_441 = arith.muli %sub3A_244, %mul3A_440 : i32
        %add3A_442 = arith.constant 16 : i32
        %add3A_443 = arith.addi %mul3A_441, %add3A_442 : i32
        %swap3A_444 = arith.index_cast %add3A_443 : i32 to index
        %swap3A_445 = tpu.vector_load %arg9[%swap3A_444] {strides = array<i32>} : memref<256xf32, #tpu.memory_space<vmem>>, vector<16xf32>,
        tpu.vector_store %arg9[%swap3A_444], %select_n3A_439 {strides = array<i32>} : memref<256xf32, #tpu.memory_space<vmem>>, vector<16xf32>,
        %add3A_446 = arith.constant 6400 : i32
        %add3A_447 = arith.addi %add3A_446, %add3A_397 : i32
        %add3A_448 = vector.broadcast %add3A_447 : i32 to vector<16xi32>
        %add3A_449 = arith.addi %mul3A_20, %add3A_448 : vector<16xi32>
        %gather3A_450 = tpu.vector_load_idx %arg6[%add3A_449] : memref<25600xi32, #tpu.memory_space<vmem>>[vector<16xi32>], vector<16xi32>,
        %gather3A_451 = tpu.vector_load_idx %arg7[%add3A_449] : memref<25600xf32, #tpu.memory_space<vmem>>[vector<16xi32>], vector<16xf32>,
        %ne3A_452 = arith.constant 0 : i32
        %ne3A_453 = vector.broadcast %ne3A_452 : i32 to vector<16xi32>
        %ne3A_454 = arith.cmpi ne, %gather3A_450, %ne3A_453 : vector<16xi32>
        %jit3A_455 = arith.constant 5 : i32
        %broadcast_in_dim3A_456 = vector.broadcast %jit3A_455 : i32 to vector<16xi32>
        %select_n3A_457 = arith.select %ne3A_454, %gather3A_450, %broadcast_in_dim3A_456 : vector<16xi1>, vector<16xi32>
        %swap3A_458 = arith.index_cast %sub3A_244 : i32 to index
        %swap3A_459 = arith.constant 32 : index
        %swap3A_460 = tpu.vector_load %arg8[%swap3A_458, %swap3A_459] {strides = array<i32>} : memref<2x128xi32, #tpu.memory_space<vmem>>, vector<16xi32>,
        tpu.vector_store %arg8[%swap3A_458, %swap3A_459], %select_n3A_457 {strides = array<i32>} : memref<2x128xi32, #tpu.memory_space<vmem>>, vector<16xi32>,
        %jit3A_461 = arith.constant -1.000000e+00 : f32
        %broadcast_in_dim3A_462 = vector.broadcast %jit3A_461 : f32 to vector<16xf32>
        %select_n3A_463 = arith.select %ne3A_454, %gather3A_451, %broadcast_in_dim3A_462 : vector<16xi1>, vector<16xf32>
        %mul3A_464 = arith.constant 128 : i32
        %mul3A_465 = arith.muli %sub3A_244, %mul3A_464 : i32
        %add3A_466 = arith.constant 32 : i32
        %add3A_467 = arith.addi %mul3A_465, %add3A_466 : i32
        %swap3A_468 = arith.index_cast %add3A_467 : i32 to index
        %swap3A_469 = tpu.vector_load %arg9[%swap3A_468] {strides = array<i32>} : memref<256xf32, #tpu.memory_space<vmem>>, vector<16xf32>,
        tpu.vector_store %arg9[%swap3A_468], %select_n3A_463 {strides = array<i32>} : memref<256xf32, #tpu.memory_space<vmem>>, vector<16xf32>,
        %add3A_470 = arith.constant 9600 : i32
        %add3A_471 = arith.addi %add3A_470, %add3A_397 : i32
        %add3A_472 = vector.broadcast %add3A_471 : i32 to vector<16xi32>
        %add3A_473 = arith.addi %mul3A_20, %add3A_472 : vector<16xi32>
        %gather3A_474 = tpu.vector_load_idx %arg6[%add3A_473] : memref<25600xi32, #tpu.memory_space<vmem>>[vector<16xi32>], vector<16xi32>,
        %gather3A_475 = tpu.vector_load_idx %arg7[%add3A_473] : memref<25600xf32, #tpu.memory_space<vmem>>[vector<16xi32>], vector<16xf32>,
        %ne3A_476 = arith.constant 0 : i32
        %ne3A_477 = vector.broadcast %ne3A_476 : i32 to vector<16xi32>
        %ne3A_478 = arith.cmpi ne, %gather3A_474, %ne3A_477 : vector<16xi32>
        %jit3A_479 = arith.constant 5 : i32
        %broadcast_in_dim3A_480 = vector.broadcast %jit3A_479 : i32 to vector<16xi32>
        %select_n3A_481 = arith.select %ne3A_478, %gather3A_474, %broadcast_in_dim3A_480 : vector<16xi1>, vector<16xi32>
        %swap3A_482 = arith.index_cast %sub3A_244 : i32 to index
        %swap3A_483 = arith.constant 48 : index
        %swap3A_484 = tpu.vector_load %arg8[%swap3A_482, %swap3A_483] {strides = array<i32>} : memref<2x128xi32, #tpu.memory_space<vmem>>, vector<16xi32>,
        tpu.vector_store %arg8[%swap3A_482, %swap3A_483], %select_n3A_481 {strides = array<i32>} : memref<2x128xi32, #tpu.memory_space<vmem>>, vector<16xi32>,
        %jit3A_485 = arith.constant -1.000000e+00 : f32
        %broadcast_in_dim3A_486 = vector.broadcast %jit3A_485 : f32 to vector<16xf32>
        %select_n3A_487 = arith.select %ne3A_478, %gather3A_475, %broadcast_in_dim3A_486 : vector<16xi1>, vector<16xf32>
        %mul3A_488 = arith.constant 128 : i32
        %mul3A_489 = arith.muli %sub3A_244, %mul3A_488 : i32
        %add3A_490 = arith.constant 48 : i32
        %add3A_491 = arith.addi %mul3A_489, %add3A_490 : i32
        %swap3A_492 = arith.index_cast %add3A_491 : i32 to index
        %swap3A_493 = tpu.vector_load %arg9[%swap3A_492] {strides = array<i32>} : memref<256xf32, #tpu.memory_space<vmem>>, vector<16xf32>,
        tpu.vector_store %arg9[%swap3A_492], %select_n3A_487 {strides = array<i32>} : memref<256xf32, #tpu.memory_space<vmem>>, vector<16xf32>,
        %add3A_494 = arith.constant 12800 : i32
        %add3A_495 = arith.addi %add3A_494, %add3A_397 : i32
        %add3A_496 = vector.broadcast %add3A_495 : i32 to vector<16xi32>
        %add3A_497 = arith.addi %mul3A_20, %add3A_496 : vector<16xi32>
        %gather3A_498 = tpu.vector_load_idx %arg6[%add3A_497] : memref<25600xi32, #tpu.memory_space<vmem>>[vector<16xi32>], vector<16xi32>,
        %gather3A_499 = tpu.vector_load_idx %arg7[%add3A_497] : memref<25600xf32, #tpu.memory_space<vmem>>[vector<16xi32>], vector<16xf32>,
        %ne3A_500 = arith.constant 0 : i32
        %ne3A_501 = vector.broadcast %ne3A_500 : i32 to vector<16xi32>
        %ne3A_502 = arith.cmpi ne, %gather3A_498, %ne3A_501 : vector<16xi32>
        %jit3A_503 = arith.constant 5 : i32
        %broadcast_in_dim3A_504 = vector.broadcast %jit3A_503 : i32 to vector<16xi32>
        %select_n3A_505 = arith.select %ne3A_502, %gather3A_498, %broadcast_in_dim3A_504 : vector<16xi1>, vector<16xi32>
        %swap3A_506 = arith.index_cast %sub3A_244 : i32 to index
        %swap3A_507 = arith.constant 64 : index
        %swap3A_508 = tpu.vector_load %arg8[%swap3A_506, %swap3A_507] {strides = array<i32>} : memref<2x128xi32, #tpu.memory_space<vmem>>, vector<16xi32>,
        tpu.vector_store %arg8[%swap3A_506, %swap3A_507], %select_n3A_505 {strides = array<i32>} : memref<2x128xi32, #tpu.memory_space<vmem>>, vector<16xi32>,
        %jit3A_509 = arith.constant -1.000000e+00 : f32
        %broadcast_in_dim3A_510 = vector.broadcast %jit3A_509 : f32 to vector<16xf32>
        %select_n3A_511 = arith.select %ne3A_502, %gather3A_499, %broadcast_in_dim3A_510 : vector<16xi1>, vector<16xf32>
        %mul3A_512 = arith.constant 128 : i32
        %mul3A_513 = arith.muli %sub3A_244, %mul3A_512 : i32
        %add3A_514 = arith.constant 64 : i32
        %add3A_515 = arith.addi %mul3A_513, %add3A_514 : i32
        %swap3A_516 = arith.index_cast %add3A_515 : i32 to index
        %swap3A_517 = tpu.vector_load %arg9[%swap3A_516] {strides = array<i32>} : memref<256xf32, #tpu.memory_space<vmem>>, vector<16xf32>,
        tpu.vector_store %arg9[%swap3A_516], %select_n3A_511 {strides = array<i32>} : memref<256xf32, #tpu.memory_space<vmem>>, vector<16xf32>,
        %add3A_518 = arith.constant 16000 : i32
        %add3A_519 = arith.addi %add3A_518, %add3A_397 : i32
        %add3A_520 = vector.broadcast %add3A_519 : i32 to vector<16xi32>
        %add3A_521 = arith.addi %mul3A_20, %add3A_520 : vector<16xi32>
        %gather3A_522 = tpu.vector_load_idx %arg6[%add3A_521] : memref<25600xi32, #tpu.memory_space<vmem>>[vector<16xi32>], vector<16xi32>,
        %gather3A_523 = tpu.vector_load_idx %arg7[%add3A_521] : memref<25600xf32, #tpu.memory_space<vmem>>[vector<16xi32>], vector<16xf32>,
        %ne3A_524 = arith.constant 0 : i32
        %ne3A_525 = vector.broadcast %ne3A_524 : i32 to vector<16xi32>
        %ne3A_526 = arith.cmpi ne, %gather3A_522, %ne3A_525 : vector<16xi32>
        %jit3A_527 = arith.constant 5 : i32
        %broadcast_in_dim3A_528 = vector.broadcast %jit3A_527 : i32 to vector<16xi32>
        %select_n3A_529 = arith.select %ne3A_526, %gather3A_522, %broadcast_in_dim3A_528 : vector<16xi1>, vector<16xi32>
        %swap3A_530 = arith.index_cast %sub3A_244 : i32 to index
        %swap3A_531 = arith.constant 80 : index
        %swap3A_532 = tpu.vector_load %arg8[%swap3A_530, %swap3A_531] {strides = array<i32>} : memref<2x128xi32, #tpu.memory_space<vmem>>, vector<16xi32>,
        tpu.vector_store %arg8[%swap3A_530, %swap3A_531], %select_n3A_529 {strides = array<i32>} : memref<2x128xi32, #tpu.memory_space<vmem>>, vector<16xi32>,
        %jit3A_533 = arith.constant -1.000000e+00 : f32
        %broadcast_in_dim3A_534 = vector.broadcast %jit3A_533 : f32 to vector<16xf32>
        %select_n3A_535 = arith.select %ne3A_526, %gather3A_523, %broadcast_in_dim3A_534 : vector<16xi1>, vector<16xf32>
        %mul3A_536 = arith.constant 128 : i32
        %mul3A_537 = arith.muli %sub3A_244, %mul3A_536 : i32
        %add3A_538 = arith.constant 80 : i32
        %add3A_539 = arith.addi %mul3A_537, %add3A_538 : i32
        %swap3A_540 = arith.index_cast %add3A_539 : i32 to index
        %swap3A_541 = tpu.vector_load %arg9[%swap3A_540] {strides = array<i32>} : memref<256xf32, #tpu.memory_space<vmem>>, vector<16xf32>,
        tpu.vector_store %arg9[%swap3A_540], %select_n3A_535 {strides = array<i32>} : memref<256xf32, #tpu.memory_space<vmem>>, vector<16xf32>,
        %add3A_542 = arith.constant 19200 : i32
        %add3A_543 = arith.addi %add3A_542, %add3A_397 : i32
        %add3A_544 = vector.broadcast %add3A_543 : i32 to vector<16xi32>
        %add3A_545 = arith.addi %mul3A_20, %add3A_544 : vector<16xi32>
        %gather3A_546 = tpu.vector_load_idx %arg6[%add3A_545] : memref<25600xi32, #tpu.memory_space<vmem>>[vector<16xi32>], vector<16xi32>,
        %gather3A_547 = tpu.vector_load_idx %arg7[%add3A_545] : memref<25600xf32, #tpu.memory_space<vmem>>[vector<16xi32>], vector<16xf32>,
        %ne3A_548 = arith.constant 0 : i32
        %ne3A_549 = vector.broadcast %ne3A_548 : i32 to vector<16xi32>
        %ne3A_550 = arith.cmpi ne, %gather3A_546, %ne3A_549 : vector<16xi32>
        %jit3A_551 = arith.constant 5 : i32
        %broadcast_in_dim3A_552 = vector.broadcast %jit3A_551 : i32 to vector<16xi32>
        %select_n3A_553 = arith.select %ne3A_550, %gather3A_546, %broadcast_in_dim3A_552 : vector<16xi1>, vector<16xi32>
        %swap3A_554 = arith.index_cast %sub3A_244 : i32 to index
        %swap3A_555 = arith.constant 96 : index
        %swap3A_556 = tpu.vector_load %arg8[%swap3A_554, %swap3A_555] {strides = array<i32>} : memref<2x128xi32, #tpu.memory_space<vmem>>, vector<16xi32>,
        tpu.vector_store %arg8[%swap3A_554, %swap3A_555], %select_n3A_553 {strides = array<i32>} : memref<2x128xi32, #tpu.memory_space<vmem>>, vector<16xi32>,
        %jit3A_557 = arith.constant -1.000000e+00 : f32
        %broadcast_in_dim3A_558 = vector.broadcast %jit3A_557 : f32 to vector<16xf32>
        %select_n3A_559 = arith.select %ne3A_550, %gather3A_547, %broadcast_in_dim3A_558 : vector<16xi1>, vector<16xf32>
        %mul3A_560 = arith.constant 128 : i32
        %mul3A_561 = arith.muli %sub3A_244, %mul3A_560 : i32
        %add3A_562 = arith.constant 96 : i32
        %add3A_563 = arith.addi %mul3A_561, %add3A_562 : i32
        %swap3A_564 = arith.index_cast %add3A_563 : i32 to index
        %swap3A_565 = tpu.vector_load %arg9[%swap3A_564] {strides = array<i32>} : memref<256xf32, #tpu.memory_space<vmem>>, vector<16xf32>,
        tpu.vector_store %arg9[%swap3A_564], %select_n3A_559 {strides = array<i32>} : memref<256xf32, #tpu.memory_space<vmem>>, vector<16xf32>,
        %add3A_566 = arith.constant 22400 : i32
        %add3A_567 = arith.addi %add3A_566, %add3A_397 : i32
        %add3A_568 = vector.broadcast %add3A_567 : i32 to vector<16xi32>
        %add3A_569 = arith.addi %mul3A_20, %add3A_568 : vector<16xi32>
        %gather3A_570 = tpu.vector_load_idx %arg6[%add3A_569] : memref<25600xi32, #tpu.memory_space<vmem>>[vector<16xi32>], vector<16xi32>,
        %gather3A_571 = tpu.vector_load_idx %arg7[%add3A_569] : memref<25600xf32, #tpu.memory_space<vmem>>[vector<16xi32>], vector<16xf32>,
        %ne3A_572 = arith.constant 0 : i32
        %ne3A_573 = vector.broadcast %ne3A_572 : i32 to vector<16xi32>
        %ne3A_574 = arith.cmpi ne, %gather3A_570, %ne3A_573 : vector<16xi32>
        %jit3A_575 = arith.constant 5 : i32
        %broadcast_in_dim3A_576 = vector.broadcast %jit3A_575 : i32 to vector<16xi32>
        %select_n3A_577 = arith.select %ne3A_574, %gather3A_570, %broadcast_in_dim3A_576 : vector<16xi1>, vector<16xi32>
        %swap3A_578 = arith.index_cast %sub3A_244 : i32 to index
        %swap3A_579 = arith.constant 112 : index
        %swap3A_580 = tpu.vector_load %arg8[%swap3A_578, %swap3A_579] {strides = array<i32>} : memref<2x128xi32, #tpu.memory_space<vmem>>, vector<16xi32>,
        tpu.vector_store %arg8[%swap3A_578, %swap3A_579], %select_n3A_577 {strides = array<i32>} : memref<2x128xi32, #tpu.memory_space<vmem>>, vector<16xi32>,
        %jit3A_581 = arith.constant -1.000000e+00 : f32
        %broadcast_in_dim3A_582 = vector.broadcast %jit3A_581 : f32 to vector<16xf32>
        %select_n3A_583 = arith.select %ne3A_574, %gather3A_571, %broadcast_in_dim3A_582 : vector<16xi1>, vector<16xf32>
        %mul3A_584 = arith.constant 128 : i32
        %mul3A_585 = arith.muli %sub3A_244, %mul3A_584 : i32
        %add3A_586 = arith.constant 112 : i32
        %add3A_587 = arith.addi %mul3A_585, %add3A_586 : i32
        %swap3A_588 = arith.index_cast %add3A_587 : i32 to index
        %swap3A_589 = tpu.vector_load %arg9[%swap3A_588] {strides = array<i32>} : memref<256xf32, #tpu.memory_space<vmem>>, vector<16xf32>,
        tpu.vector_store %arg9[%swap3A_588], %select_n3A_583 {strides = array<i32>} : memref<256xf32, #tpu.memory_space<vmem>>, vector<16xf32>,
        %dma_start3A_590 = arith.constant 0 : i32
        %dma_start3A_591 = arith.constant 0 : i32
        %dma_start3A_592 = tpu.memref_slice %arg10[%sub3A_244, %dma_start3A_590, %dma_start3A_591] : memref<2x128x64xf32, #tpu.memory_space<vmem>> -> memref<1x128x64xf32, #tpu.memory_space<vmem>>
        %dma_start3A_593 = tpu.memref_squeeze %dma_start3A_592 : memref<1x128x64xf32, #tpu.memory_space<vmem>> -> memref<128x64xf32, #tpu.memory_space<vmem>>
        %dma_start3A_594 = arith.constant 0 : i32
        %dma_start3A_595 = tpu.memref_slice %arg8[%sub3A_244, %dma_start3A_594] : memref<2x128xi32, #tpu.memory_space<vmem>> -> memref<1x128xi32, #tpu.memory_space<vmem>>
        %dma_start3A_596 = tpu.memref_squeeze %dma_start3A_595 : memref<1x128xi32, #tpu.memory_space<vmem>> -> memref<128xi32, #tpu.memory_space<vmem>>
        %dma_start3A_597 = arith.constant 0 : i32
        %dma_start3A_598 = arith.constant 0 : i32
        %dma_start3A_599 = tpu.memref_slice %arg2[%dma_start3A_597, %dma_start3A_598] : memref<1000000x64xf32, #tpu.memory_space<hbm>> -> memref<1000000x64xf32, #tpu.memory_space<hbm>>
        %dma_start3A_600 = tpu.memref_slice %arg13[%sub3A_244] : memref<2x!tpu.dma_semaphore, #tpu.memory_space<semaphore_mem>> -> memref<1x!tpu.dma_semaphore, #tpu.memory_space<semaphore_mem>>
        %dma_start3A_601 = tpu.memref_squeeze %dma_start3A_600 : memref<1x!tpu.dma_semaphore, #tpu.memory_space<semaphore_mem>> -> memref<!tpu.dma_semaphore, #tpu.memory_space<semaphore_mem>>
        tpu.enqueue_indirect_dma source(%dma_start3A_599 : memref<1000000x64xf32, #tpu.memory_space<hbm>>) target(%dma_start3A_593 : memref<128x64xf32, #tpu.memory_space<vmem>>) offsets(%dma_start3A_596 : memref<128xi32, #tpu.memory_space<vmem>>) semaphore(%dma_start3A_601 : memref<!tpu.dma_semaphore, #tpu.memory_space<semaphore_mem>>)
      } else {
      }
      %dma_wait3A_249 = arith.constant 0 : i32
      %dma_wait3A_250 = arith.constant 0 : i32
      %dma_wait3A_251 = tpu.memref_slice %arg10[%rem3A_243, %dma_wait3A_249, %dma_wait3A_250] : memref<2x128x64xf32, #tpu.memory_space<vmem>> -> memref<1x128x64xf32, #tpu.memory_space<vmem>>
      %dma_wait3A_252 = tpu.memref_squeeze %dma_wait3A_251 : memref<1x128x64xf32, #tpu.memory_space<vmem>> -> memref<128x64xf32, #tpu.memory_space<vmem>>
      %dma_wait3A_253 = arith.constant 0 : i32
      %dma_wait3A_254 = tpu.memref_slice %arg8[%rem3A_243, %dma_wait3A_253] : memref<2x128xi32, #tpu.memory_space<vmem>> -> memref<1x128xi32, #tpu.memory_space<vmem>>
      %dma_wait3A_255 = tpu.memref_squeeze %dma_wait3A_254 : memref<1x128xi32, #tpu.memory_space<vmem>> -> memref<128xi32, #tpu.memory_space<vmem>>
      %dma_wait3A_256 = arith.constant 0 : i32
      %dma_wait3A_257 = arith.constant 0 : i32
      %dma_wait3A_258 = tpu.memref_slice %arg2[%dma_wait3A_256, %dma_wait3A_257] : memref<1000000x64xf32, #tpu.memory_space<hbm>> -> memref<1000000x64xf32, #tpu.memory_space<hbm>>
      %dma_wait3A_259 = tpu.memref_slice %arg13[%rem3A_243] : memref<2x!tpu.dma_semaphore, #tpu.memory_space<semaphore_mem>> -> memref<1x!tpu.dma_semaphore, #tpu.memory_space<semaphore_mem>>
      %dma_wait3A_260 = tpu.memref_squeeze %dma_wait3A_259 : memref<1x!tpu.dma_semaphore, #tpu.memory_space<semaphore_mem>> -> memref<!tpu.dma_semaphore, #tpu.memory_space<semaphore_mem>>
      tpu.wait_indirect_dma semaphore(%dma_wait3A_260 : memref<!tpu.dma_semaphore, #tpu.memory_space<semaphore_mem>>) src(%dma_wait3A_258 : memref<1000000x64xf32, #tpu.memory_space<hbm>>) dst(%dma_wait3A_252 : memref<128x64xf32, #tpu.memory_space<vmem>>)
      %broadcast_in_dim3A_261 = vector.broadcast %rem3A_243 : i32 to vector<16xi32>
      %scan3A_262 = arith.constant 0 : i32
      %scan3A_263 = arith.constant 0 : i32
      %scan3A_264 = arith.constant 128 : i32
      %scan3A_265 = arith.addi %scan3A_263, %scan3A_264 : i32
      %scan3A_266 = arith.constant 8 : i32
      %scan3A_267 = scf.for %scan3A_392 = %scan3A_263 to %scan3A_265 step %scan3A_266 iter_args(%scan3A_393 = %scan3A_262) -> (i32)  : i32 {
        %add3A_394 = vector.broadcast %scan3A_392 : i32 to vector<16xi32>
        %add3A_395 = arith.addi %add3A_394, %iota3A_21 : vector<16xi32>
        %and3A = arith.constant 127 : i32
        %and3A_396 = vector.broadcast %and3A : i32 to vector<16xi32>
        %and3A_397 = arith.andi %add3A_395, %and3A_396 : vector<16xi32>
        %mul3A_398 = arith.constant 128 : i32
        %mul3A_399 = arith.muli %rem3A_243, %mul3A_398 : i32
        %add3A_400 = vector.broadcast %mul3A_399 : i32 to vector<16xi32>
        %add3A_401 = arith.addi %and3A_397, %add3A_400 : vector<16xi32>
        %gather3A_402 = tpu.vector_load_idx %arg9[%add3A_401] : memref<256xf32, #tpu.memory_space<vmem>>[vector<16xi32>], vector<16xf32>,
        %mul3A_403 = arith.constant 8192 : i32
        %mul3A_404 = arith.muli %rem3A_243, %mul3A_403 : i32
        %add3A_405 = vector.broadcast %mul3A_404 : i32 to vector<16xi32>
        %add3A_406 = arith.addi %and3A_397, %add3A_405 : vector<16xi32>
        %add3A_407 = arith.constant 0 : i32
        %add3A_408 = vector.broadcast %add3A_407 : i32 to vector<16xi32>
        %add3A_409 = arith.addi %iota3A_21, %add3A_408 : vector<16xi32>
        %gather3A_410 = tpu.vector_load_idx %arg10[%broadcast_in_dim3A_261, %and3A_397, %add3A_409] : memref<2x128x64xf32, #tpu.memory_space<vmem>>[vector<16xi32>, vector<16xi32>, vector<16xi32>], vector<16xf32>,
        %add3A_411 = arith.addi %mul3A_27, %add3A_406 : vector<16xi32>
        %mul3A_412 = arith.mulf %gather3A_402, %get3A_5 : vector<16xf32>
        %add3A_413 = arith.addf %gather3A_410, %mul3A_412 : vector<16xf32>
        tpu.vector_store_idx %arg11[%add3A_411], %add3A_413 : memref<16384xf32, #tpu.memory_space<vmem>>[vector<16xi32>], vector<16xf32>,
        %add3A_414 = arith.constant 16 : i32
        %add3A_415 = vector.broadcast %add3A_414 : i32 to vector<16xi32>
        %add3A_416 = arith.addi %iota3A_21, %add3A_415 : vector<16xi32>
        %gather3A_417 = tpu.vector_load_idx %arg10[%broadcast_in_dim3A_261, %and3A_397, %add3A_416] : memref<2x128x64xf32, #tpu.memory_space<vmem>>[vector<16xi32>, vector<16xi32>, vector<16xi32>], vector<16xf32>,
        %add3A_418 = arith.addi %mul3A_33, %add3A_406 : vector<16xi32>
        %mul3A_419 = arith.mulf %gather3A_402, %get3A_9 : vector<16xf32>
        %add3A_420 = arith.addf %gather3A_417, %mul3A_419 : vector<16xf32>
        tpu.vector_store_idx %arg11[%add3A_418], %add3A_420 : memref<16384xf32, #tpu.memory_space<vmem>>[vector<16xi32>], vector<16xf32>,
        %add3A_421 = arith.constant 32 : i32
        %add3A_422 = vector.broadcast %add3A_421 : i32 to vector<16xi32>
        %add3A_423 = arith.addi %iota3A_21, %add3A_422 : vector<16xi32>
        %gather3A_424 = tpu.vector_load_idx %arg10[%broadcast_in_dim3A_261, %and3A_397, %add3A_423] : memref<2x128x64xf32, #tpu.memory_space<vmem>>[vector<16xi32>, vector<16xi32>, vector<16xi32>], vector<16xf32>,
        %add3A_425 = arith.addi %mul3A_39, %add3A_406 : vector<16xi32>
        %mul3A_426 = arith.mulf %gather3A_402, %get3A_13 : vector<16xf32>
        %add3A_427 = arith.addf %gather3A_424, %mul3A_426 : vector<16xf32>
        tpu.vector_store_idx %arg11[%add3A_425], %add3A_427 : memref<16384xf32, #tpu.memory_space<vmem>>[vector<16xi32>], vector<16xf32>,
        %add3A_428 = arith.constant 48 : i32
        %add3A_429 = vector.broadcast %add3A_428 : i32 to vector<16xi32>
        %add3A_430 = arith.addi %iota3A_21, %add3A_429 : vector<16xi32>
        %gather3A_431 = tpu.vector_load_idx %arg10[%broadcast_in_dim3A_261, %and3A_397, %add3A_430] : memref<2x128x64xf32, #tpu.memory_space<vmem>>[vector<16xi32>, vector<16xi32>, vector<16xi32>], vector<16xf32>,
        %add3A_432 = arith.addi %mul3A_45, %add3A_406 : vector<16xi32>
        %mul3A_433 = arith.mulf %gather3A_402, %get3A_17 : vector<16xf32>
        %add3A_434 = arith.addf %gather3A_431, %mul3A_433 : vector<16xf32>
        tpu.vector_store_idx %arg11[%add3A_432], %add3A_434 : memref<16384xf32, #tpu.memory_space<vmem>>[vector<16xi32>], vector<16xf32>,
        %scan3A_435 = arith.constant 0 : i32
        %scan3A_436 = arith.constant 1 : i32
        %scan3A_437 = arith.addi %scan3A_392, %scan3A_436 : i32
        %add3A_438 = vector.broadcast %scan3A_437 : i32 to vector<16xi32>
        %add3A_439 = arith.addi %add3A_438, %iota3A_21 : vector<16xi32>
        %and3A_440 = arith.constant 127 : i32
        %and3A_441 = vector.broadcast %and3A_440 : i32 to vector<16xi32>
        %and3A_442 = arith.andi %add3A_439, %and3A_441 : vector<16xi32>
        %mul3A_443 = arith.constant 128 : i32
        %mul3A_444 = arith.muli %rem3A_243, %mul3A_443 : i32
        %add3A_445 = vector.broadcast %mul3A_444 : i32 to vector<16xi32>
        %add3A_446 = arith.addi %and3A_442, %add3A_445 : vector<16xi32>
        %gather3A_447 = tpu.vector_load_idx %arg9[%add3A_446] : memref<256xf32, #tpu.memory_space<vmem>>[vector<16xi32>], vector<16xf32>,
        %mul3A_448 = arith.constant 8192 : i32
        %mul3A_449 = arith.muli %rem3A_243, %mul3A_448 : i32
        %add3A_450 = vector.broadcast %mul3A_449 : i32 to vector<16xi32>
        %add3A_451 = arith.addi %and3A_442, %add3A_450 : vector<16xi32>
        %add3A_452 = arith.constant 0 : i32
        %add3A_453 = vector.broadcast %add3A_452 : i32 to vector<16xi32>
        %add3A_454 = arith.addi %iota3A_21, %add3A_453 : vector<16xi32>
        %gather3A_455 = tpu.vector_load_idx %arg10[%broadcast_in_dim3A_261, %and3A_442, %add3A_454] : memref<2x128x64xf32, #tpu.memory_space<vmem>>[vector<16xi32>, vector<16xi32>, vector<16xi32>], vector<16xf32>,
        %add3A_456 = arith.addi %mul3A_27, %add3A_451 : vector<16xi32>
        %mul3A_457 = arith.mulf %gather3A_447, %get3A_5 : vector<16xf32>
        %add3A_458 = arith.addf %gather3A_455, %mul3A_457 : vector<16xf32>
        tpu.vector_store_idx %arg11[%add3A_456], %add3A_458 : memref<16384xf32, #tpu.memory_space<vmem>>[vector<16xi32>], vector<16xf32>,
        %add3A_459 = arith.constant 16 : i32
        %add3A_460 = vector.broadcast %add3A_459 : i32 to vector<16xi32>
        %add3A_461 = arith.addi %iota3A_21, %add3A_460 : vector<16xi32>
        %gather3A_462 = tpu.vector_load_idx %arg10[%broadcast_in_dim3A_261, %and3A_442, %add3A_461] : memref<2x128x64xf32, #tpu.memory_space<vmem>>[vector<16xi32>, vector<16xi32>, vector<16xi32>], vector<16xf32>,
        %add3A_463 = arith.addi %mul3A_33, %add3A_451 : vector<16xi32>
        %mul3A_464 = arith.mulf %gather3A_447, %get3A_9 : vector<16xf32>
        %add3A_465 = arith.addf %gather3A_462, %mul3A_464 : vector<16xf32>
        tpu.vector_store_idx %arg11[%add3A_463], %add3A_465 : memref<16384xf32, #tpu.memory_space<vmem>>[vector<16xi32>], vector<16xf32>,
        %add3A_466 = arith.constant 32 : i32
        %add3A_467 = vector.broadcast %add3A_466 : i32 to vector<16xi32>
        %add3A_468 = arith.addi %iota3A_21, %add3A_467 : vector<16xi32>
        %gather3A_469 = tpu.vector_load_idx %arg10[%broadcast_in_dim3A_261, %and3A_442, %add3A_468] : memref<2x128x64xf32, #tpu.memory_space<vmem>>[vector<16xi32>, vector<16xi32>, vector<16xi32>], vector<16xf32>,
        %add3A_470 = arith.addi %mul3A_39, %add3A_451 : vector<16xi32>
        %mul3A_471 = arith.mulf %gather3A_447, %get3A_13 : vector<16xf32>
        %add3A_472 = arith.addf %gather3A_469, %mul3A_471 : vector<16xf32>
        tpu.vector_store_idx %arg11[%add3A_470], %add3A_472 : memref<16384xf32, #tpu.memory_space<vmem>>[vector<16xi32>], vector<16xf32>,
        %add3A_473 = arith.constant 48 : i32
        %add3A_474 = vector.broadcast %add3A_473 : i32 to vector<16xi32>
        %add3A_475 = arith.addi %iota3A_21, %add3A_474 : vector<16xi32>
        %gather3A_476 = tpu.vector_load_idx %arg10[%broadcast_in_dim3A_261, %and3A_442, %add3A_475] : memref<2x128x64xf32, #tpu.memory_space<vmem>>[vector<16xi32>, vector<16xi32>, vector<16xi32>], vector<16xf32>,
        %add3A_477 = arith.addi %mul3A_45, %add3A_451 : vector<16xi32>
        %mul3A_478 = arith.mulf %gather3A_447, %get3A_17 : vector<16xf32>
        %add3A_479 = arith.addf %gather3A_476, %mul3A_478 : vector<16xf32>
        tpu.vector_store_idx %arg11[%add3A_477], %add3A_479 : memref<16384xf32, #tpu.memory_space<vmem>>[vector<16xi32>], vector<16xf32>,
        %scan3A_480 = arith.constant 0 : i32
        %scan3A_481 = arith.constant 2 : i32
        %scan3A_482 = arith.addi %scan3A_392, %scan3A_481 : i32
        %add3A_483 = vector.broadcast %scan3A_482 : i32 to vector<16xi32>
        %add3A_484 = arith.addi %add3A_483, %iota3A_21 : vector<16xi32>
        %and3A_485 = arith.constant 127 : i32
        %and3A_486 = vector.broadcast %and3A_485 : i32 to vector<16xi32>
        %and3A_487 = arith.andi %add3A_484, %and3A_486 : vector<16xi32>
        %mul3A_488 = arith.constant 128 : i32
        %mul3A_489 = arith.muli %rem3A_243, %mul3A_488 : i32
        %add3A_490 = vector.broadcast %mul3A_489 : i32 to vector<16xi32>
        %add3A_491 = arith.addi %and3A_487, %add3A_490 : vector<16xi32>
        %gather3A_492 = tpu.vector_load_idx %arg9[%add3A_491] : memref<256xf32, #tpu.memory_space<vmem>>[vector<16xi32>], vector<16xf32>,
        %mul3A_493 = arith.constant 8192 : i32
        %mul3A_494 = arith.muli %rem3A_243, %mul3A_493 : i32
        %add3A_495 = vector.broadcast %mul3A_494 : i32 to vector<16xi32>
        %add3A_496 = arith.addi %and3A_487, %add3A_495 : vector<16xi32>
        %add3A_497 = arith.constant 0 : i32
        %add3A_498 = vector.broadcast %add3A_497 : i32 to vector<16xi32>
        %add3A_499 = arith.addi %iota3A_21, %add3A_498 : vector<16xi32>
        %gather3A_500 = tpu.vector_load_idx %arg10[%broadcast_in_dim3A_261, %and3A_487, %add3A_499] : memref<2x128x64xf32, #tpu.memory_space<vmem>>[vector<16xi32>, vector<16xi32>, vector<16xi32>], vector<16xf32>,
        %add3A_501 = arith.addi %mul3A_27, %add3A_496 : vector<16xi32>
        %mul3A_502 = arith.mulf %gather3A_492, %get3A_5 : vector<16xf32>
        %add3A_503 = arith.addf %gather3A_500, %mul3A_502 : vector<16xf32>
        tpu.vector_store_idx %arg11[%add3A_501], %add3A_503 : memref<16384xf32, #tpu.memory_space<vmem>>[vector<16xi32>], vector<16xf32>,
        %add3A_504 = arith.constant 16 : i32
        %add3A_505 = vector.broadcast %add3A_504 : i32 to vector<16xi32>
        %add3A_506 = arith.addi %iota3A_21, %add3A_505 : vector<16xi32>
        %gather3A_507 = tpu.vector_load_idx %arg10[%broadcast_in_dim3A_261, %and3A_487, %add3A_506] : memref<2x128x64xf32, #tpu.memory_space<vmem>>[vector<16xi32>, vector<16xi32>, vector<16xi32>], vector<16xf32>,
        %add3A_508 = arith.addi %mul3A_33, %add3A_496 : vector<16xi32>
        %mul3A_509 = arith.mulf %gather3A_492, %get3A_9 : vector<16xf32>
        %add3A_510 = arith.addf %gather3A_507, %mul3A_509 : vector<16xf32>
        tpu.vector_store_idx %arg11[%add3A_508], %add3A_510 : memref<16384xf32, #tpu.memory_space<vmem>>[vector<16xi32>], vector<16xf32>,
        %add3A_511 = arith.constant 32 : i32
        %add3A_512 = vector.broadcast %add3A_511 : i32 to vector<16xi32>
        %add3A_513 = arith.addi %iota3A_21, %add3A_512 : vector<16xi32>
        %gather3A_514 = tpu.vector_load_idx %arg10[%broadcast_in_dim3A_261, %and3A_487, %add3A_513] : memref<2x128x64xf32, #tpu.memory_space<vmem>>[vector<16xi32>, vector<16xi32>, vector<16xi32>], vector<16xf32>,
        %add3A_515 = arith.addi %mul3A_39, %add3A_496 : vector<16xi32>
        %mul3A_516 = arith.mulf %gather3A_492, %get3A_13 : vector<16xf32>
        %add3A_517 = arith.addf %gather3A_514, %mul3A_516 : vector<16xf32>
        tpu.vector_store_idx %arg11[%add3A_515], %add3A_517 : memref<16384xf32, #tpu.memory_space<vmem>>[vector<16xi32>], vector<16xf32>,
        %add3A_518 = arith.constant 48 : i32
        %add3A_519 = vector.broadcast %add3A_518 : i32 to vector<16xi32>
        %add3A_520 = arith.addi %iota3A_21, %add3A_519 : vector<16xi32>
        %gather3A_521 = tpu.vector_load_idx %arg10[%broadcast_in_dim3A_261, %and3A_487, %add3A_520] : memref<2x128x64xf32, #tpu.memory_space<vmem>>[vector<16xi32>, vector<16xi32>, vector<16xi32>], vector<16xf32>,
        %add3A_522 = arith.addi %mul3A_45, %add3A_496 : vector<16xi32>
        %mul3A_523 = arith.mulf %gather3A_492, %get3A_17 : vector<16xf32>
        %add3A_524 = arith.addf %gather3A_521, %mul3A_523 : vector<16xf32>
        tpu.vector_store_idx %arg11[%add3A_522], %add3A_524 : memref<16384xf32, #tpu.memory_space<vmem>>[vector<16xi32>], vector<16xf32>,
        %scan3A_525 = arith.constant 0 : i32
        %scan3A_526 = arith.constant 3 : i32
        %scan3A_527 = arith.addi %scan3A_392, %scan3A_526 : i32
        %add3A_528 = vector.broadcast %scan3A_527 : i32 to vector<16xi32>
        %add3A_529 = arith.addi %add3A_528, %iota3A_21 : vector<16xi32>
        %and3A_530 = arith.constant 127 : i32
        %and3A_531 = vector.broadcast %and3A_530 : i32 to vector<16xi32>
        %and3A_532 = arith.andi %add3A_529, %and3A_531 : vector<16xi32>
        %mul3A_533 = arith.constant 128 : i32
        %mul3A_534 = arith.muli %rem3A_243, %mul3A_533 : i32
        %add3A_535 = vector.broadcast %mul3A_534 : i32 to vector<16xi32>
        %add3A_536 = arith.addi %and3A_532, %add3A_535 : vector<16xi32>
        %gather3A_537 = tpu.vector_load_idx %arg9[%add3A_536] : memref<256xf32, #tpu.memory_space<vmem>>[vector<16xi32>], vector<16xf32>,
        %mul3A_538 = arith.constant 8192 : i32
        %mul3A_539 = arith.muli %rem3A_243, %mul3A_538 : i32
        %add3A_540 = vector.broadcast %mul3A_539 : i32 to vector<16xi32>
        %add3A_541 = arith.addi %and3A_532, %add3A_540 : vector<16xi32>
        %add3A_542 = arith.constant 0 : i32
        %add3A_543 = vector.broadcast %add3A_542 : i32 to vector<16xi32>
        %add3A_544 = arith.addi %iota3A_21, %add3A_543 : vector<16xi32>
        %gather3A_545 = tpu.vector_load_idx %arg10[%broadcast_in_dim3A_261, %and3A_532, %add3A_544] : memref<2x128x64xf32, #tpu.memory_space<vmem>>[vector<16xi32>, vector<16xi32>, vector<16xi32>], vector<16xf32>,
        %add3A_546 = arith.addi %mul3A_27, %add3A_541 : vector<16xi32>
        %mul3A_547 = arith.mulf %gather3A_537, %get3A_5 : vector<16xf32>
        %add3A_548 = arith.addf %gather3A_545, %mul3A_547 : vector<16xf32>
        tpu.vector_store_idx %arg11[%add3A_546], %add3A_548 : memref<16384xf32, #tpu.memory_space<vmem>>[vector<16xi32>], vector<16xf32>,
        %add3A_549 = arith.constant 16 : i32
        %add3A_550 = vector.broadcast %add3A_549 : i32 to vector<16xi32>
        %add3A_551 = arith.addi %iota3A_21, %add3A_550 : vector<16xi32>
        %gather3A_552 = tpu.vector_load_idx %arg10[%broadcast_in_dim3A_261, %and3A_532, %add3A_551] : memref<2x128x64xf32, #tpu.memory_space<vmem>>[vector<16xi32>, vector<16xi32>, vector<16xi32>], vector<16xf32>,
        %add3A_553 = arith.addi %mul3A_33, %add3A_541 : vector<16xi32>
        %mul3A_554 = arith.mulf %gather3A_537, %get3A_9 : vector<16xf32>
        %add3A_555 = arith.addf %gather3A_552, %mul3A_554 : vector<16xf32>
        tpu.vector_store_idx %arg11[%add3A_553], %add3A_555 : memref<16384xf32, #tpu.memory_space<vmem>>[vector<16xi32>], vector<16xf32>,
        %add3A_556 = arith.constant 32 : i32
        %add3A_557 = vector.broadcast %add3A_556 : i32 to vector<16xi32>
        %add3A_558 = arith.addi %iota3A_21, %add3A_557 : vector<16xi32>
        %gather3A_559 = tpu.vector_load_idx %arg10[%broadcast_in_dim3A_261, %and3A_532, %add3A_558] : memref<2x128x64xf32, #tpu.memory_space<vmem>>[vector<16xi32>, vector<16xi32>, vector<16xi32>], vector<16xf32>,
        %add3A_560 = arith.addi %mul3A_39, %add3A_541 : vector<16xi32>
        %mul3A_561 = arith.mulf %gather3A_537, %get3A_13 : vector<16xf32>
        %add3A_562 = arith.addf %gather3A_559, %mul3A_561 : vector<16xf32>
        tpu.vector_store_idx %arg11[%add3A_560], %add3A_562 : memref<16384xf32, #tpu.memory_space<vmem>>[vector<16xi32>], vector<16xf32>,
        %add3A_563 = arith.constant 48 : i32
        %add3A_564 = vector.broadcast %add3A_563 : i32 to vector<16xi32>
        %add3A_565 = arith.addi %iota3A_21, %add3A_564 : vector<16xi32>
        %gather3A_566 = tpu.vector_load_idx %arg10[%broadcast_in_dim3A_261, %and3A_532, %add3A_565] : memref<2x128x64xf32, #tpu.memory_space<vmem>>[vector<16xi32>, vector<16xi32>, vector<16xi32>], vector<16xf32>,
        %add3A_567 = arith.addi %mul3A_45, %add3A_541 : vector<16xi32>
        %mul3A_568 = arith.mulf %gather3A_537, %get3A_17 : vector<16xf32>
        %add3A_569 = arith.addf %gather3A_566, %mul3A_568 : vector<16xf32>
        tpu.vector_store_idx %arg11[%add3A_567], %add3A_569 : memref<16384xf32, #tpu.memory_space<vmem>>[vector<16xi32>], vector<16xf32>,
        %scan3A_570 = arith.constant 0 : i32
        %scan3A_571 = arith.constant 4 : i32
        %scan3A_572 = arith.addi %scan3A_392, %scan3A_571 : i32
        %add3A_573 = vector.broadcast %scan3A_572 : i32 to vector<16xi32>
        %add3A_574 = arith.addi %add3A_573, %iota3A_21 : vector<16xi32>
        %and3A_575 = arith.constant 127 : i32
        %and3A_576 = vector.broadcast %and3A_575 : i32 to vector<16xi32>
        %and3A_577 = arith.andi %add3A_574, %and3A_576 : vector<16xi32>
        %mul3A_578 = arith.constant 128 : i32
        %mul3A_579 = arith.muli %rem3A_243, %mul3A_578 : i32
        %add3A_580 = vector.broadcast %mul3A_579 : i32 to vector<16xi32>
        %add3A_581 = arith.addi %and3A_577, %add3A_580 : vector<16xi32>
        %gather3A_582 = tpu.vector_load_idx %arg9[%add3A_581] : memref<256xf32, #tpu.memory_space<vmem>>[vector<16xi32>], vector<16xf32>,
        %mul3A_583 = arith.constant 8192 : i32
        %mul3A_584 = arith.muli %rem3A_243, %mul3A_583 : i32
        %add3A_585 = vector.broadcast %mul3A_584 : i32 to vector<16xi32>
        %add3A_586 = arith.addi %and3A_577, %add3A_585 : vector<16xi32>
        %add3A_587 = arith.constant 0 : i32
        %add3A_588 = vector.broadcast %add3A_587 : i32 to vector<16xi32>
        %add3A_589 = arith.addi %iota3A_21, %add3A_588 : vector<16xi32>
        %gather3A_590 = tpu.vector_load_idx %arg10[%broadcast_in_dim3A_261, %and3A_577, %add3A_589] : memref<2x128x64xf32, #tpu.memory_space<vmem>>[vector<16xi32>, vector<16xi32>, vector<16xi32>], vector<16xf32>,
        %add3A_591 = arith.addi %mul3A_27, %add3A_586 : vector<16xi32>
        %mul3A_592 = arith.mulf %gather3A_582, %get3A_5 : vector<16xf32>
        %add3A_593 = arith.addf %gather3A_590, %mul3A_592 : vector<16xf32>
        tpu.vector_store_idx %arg11[%add3A_591], %add3A_593 : memref<16384xf32, #tpu.memory_space<vmem>>[vector<16xi32>], vector<16xf32>,
        %add3A_594 = arith.constant 16 : i32
        %add3A_595 = vector.broadcast %add3A_594 : i32 to vector<16xi32>
        %add3A_596 = arith.addi %iota3A_21, %add3A_595 : vector<16xi32>
        %gather3A_597 = tpu.vector_load_idx %arg10[%broadcast_in_dim3A_261, %and3A_577, %add3A_596] : memref<2x128x64xf32, #tpu.memory_space<vmem>>[vector<16xi32>, vector<16xi32>, vector<16xi32>], vector<16xf32>,
        %add3A_598 = arith.addi %mul3A_33, %add3A_586 : vector<16xi32>
        %mul3A_599 = arith.mulf %gather3A_582, %get3A_9 : vector<16xf32>
        %add3A_600 = arith.addf %gather3A_597, %mul3A_599 : vector<16xf32>
        tpu.vector_store_idx %arg11[%add3A_598], %add3A_600 : memref<16384xf32, #tpu.memory_space<vmem>>[vector<16xi32>], vector<16xf32>,
        %add3A_601 = arith.constant 32 : i32
        %add3A_602 = vector.broadcast %add3A_601 : i32 to vector<16xi32>
        %add3A_603 = arith.addi %iota3A_21, %add3A_602 : vector<16xi32>
        %gather3A_604 = tpu.vector_load_idx %arg10[%broadcast_in_dim3A_261, %and3A_577, %add3A_603] : memref<2x128x64xf32, #tpu.memory_space<vmem>>[vector<16xi32>, vector<16xi32>, vector<16xi32>], vector<16xf32>,
        %add3A_605 = arith.addi %mul3A_39, %add3A_586 : vector<16xi32>
        %mul3A_606 = arith.mulf %gather3A_582, %get3A_13 : vector<16xf32>
        %add3A_607 = arith.addf %gather3A_604, %mul3A_606 : vector<16xf32>
        tpu.vector_store_idx %arg11[%add3A_605], %add3A_607 : memref<16384xf32, #tpu.memory_space<vmem>>[vector<16xi32>], vector<16xf32>,
        %add3A_608 = arith.constant 48 : i32
        %add3A_609 = vector.broadcast %add3A_608 : i32 to vector<16xi32>
        %add3A_610 = arith.addi %iota3A_21, %add3A_609 : vector<16xi32>
        %gather3A_611 = tpu.vector_load_idx %arg10[%broadcast_in_dim3A_261, %and3A_577, %add3A_610] : memref<2x128x64xf32, #tpu.memory_space<vmem>>[vector<16xi32>, vector<16xi32>, vector<16xi32>], vector<16xf32>,
        %add3A_612 = arith.addi %mul3A_45, %add3A_586 : vector<16xi32>
        %mul3A_613 = arith.mulf %gather3A_582, %get3A_17 : vector<16xf32>
        %add3A_614 = arith.addf %gather3A_611, %mul3A_613 : vector<16xf32>
        tpu.vector_store_idx %arg11[%add3A_612], %add3A_614 : memref<16384xf32, #tpu.memory_space<vmem>>[vector<16xi32>], vector<16xf32>,
        %scan3A_615 = arith.constant 0 : i32
        %scan3A_616 = arith.constant 5 : i32
        %scan3A_617 = arith.addi %scan3A_392, %scan3A_616 : i32
        %add3A_618 = vector.broadcast %scan3A_617 : i32 to vector<16xi32>
        %add3A_619 = arith.addi %add3A_618, %iota3A_21 : vector<16xi32>
        %and3A_620 = arith.constant 127 : i32
        %and3A_621 = vector.broadcast %and3A_620 : i32 to vector<16xi32>
        %and3A_622 = arith.andi %add3A_619, %and3A_621 : vector<16xi32>
        %mul3A_623 = arith.constant 128 : i32
        %mul3A_624 = arith.muli %rem3A_243, %mul3A_623 : i32
        %add3A_625 = vector.broadcast %mul3A_624 : i32 to vector<16xi32>
        %add3A_626 = arith.addi %and3A_622, %add3A_625 : vector<16xi32>
        %gather3A_627 = tpu.vector_load_idx %arg9[%add3A_626] : memref<256xf32, #tpu.memory_space<vmem>>[vector<16xi32>], vector<16xf32>,
        %mul3A_628 = arith.constant 8192 : i32
        %mul3A_629 = arith.muli %rem3A_243, %mul3A_628 : i32
        %add3A_630 = vector.broadcast %mul3A_629 : i32 to vector<16xi32>
        %add3A_631 = arith.addi %and3A_622, %add3A_630 : vector<16xi32>
        %add3A_632 = arith.constant 0 : i32
        %add3A_633 = vector.broadcast %add3A_632 : i32 to vector<16xi32>
        %add3A_634 = arith.addi %iota3A_21, %add3A_633 : vector<16xi32>
        %gather3A_635 = tpu.vector_load_idx %arg10[%broadcast_in_dim3A_261, %and3A_622, %add3A_634] : memref<2x128x64xf32, #tpu.memory_space<vmem>>[vector<16xi32>, vector<16xi32>, vector<16xi32>], vector<16xf32>,
        %add3A_636 = arith.addi %mul3A_27, %add3A_631 : vector<16xi32>
        %mul3A_637 = arith.mulf %gather3A_627, %get3A_5 : vector<16xf32>
        %add3A_638 = arith.addf %gather3A_635, %mul3A_637 : vector<16xf32>
        tpu.vector_store_idx %arg11[%add3A_636], %add3A_638 : memref<16384xf32, #tpu.memory_space<vmem>>[vector<16xi32>], vector<16xf32>,
        %add3A_639 = arith.constant 16 : i32
        %add3A_640 = vector.broadcast %add3A_639 : i32 to vector<16xi32>
        %add3A_641 = arith.addi %iota3A_21, %add3A_640 : vector<16xi32>
        %gather3A_642 = tpu.vector_load_idx %arg10[%broadcast_in_dim3A_261, %and3A_622, %add3A_641] : memref<2x128x64xf32, #tpu.memory_space<vmem>>[vector<16xi32>, vector<16xi32>, vector<16xi32>], vector<16xf32>,
        %add3A_643 = arith.addi %mul3A_33, %add3A_631 : vector<16xi32>
        %mul3A_644 = arith.mulf %gather3A_627, %get3A_9 : vector<16xf32>
        %add3A_645 = arith.addf %gather3A_642, %mul3A_644 : vector<16xf32>
        tpu.vector_store_idx %arg11[%add3A_643], %add3A_645 : memref<16384xf32, #tpu.memory_space<vmem>>[vector<16xi32>], vector<16xf32>,
        %add3A_646 = arith.constant 32 : i32
        %add3A_647 = vector.broadcast %add3A_646 : i32 to vector<16xi32>
        %add3A_648 = arith.addi %iota3A_21, %add3A_647 : vector<16xi32>
        %gather3A_649 = tpu.vector_load_idx %arg10[%broadcast_in_dim3A_261, %and3A_622, %add3A_648] : memref<2x128x64xf32, #tpu.memory_space<vmem>>[vector<16xi32>, vector<16xi32>, vector<16xi32>], vector<16xf32>,
        %add3A_650 = arith.addi %mul3A_39, %add3A_631 : vector<16xi32>
        %mul3A_651 = arith.mulf %gather3A_627, %get3A_13 : vector<16xf32>
        %add3A_652 = arith.addf %gather3A_649, %mul3A_651 : vector<16xf32>
        tpu.vector_store_idx %arg11[%add3A_650], %add3A_652 : memref<16384xf32, #tpu.memory_space<vmem>>[vector<16xi32>], vector<16xf32>,
        %add3A_653 = arith.constant 48 : i32
        %add3A_654 = vector.broadcast %add3A_653 : i32 to vector<16xi32>
        %add3A_655 = arith.addi %iota3A_21, %add3A_654 : vector<16xi32>
        %gather3A_656 = tpu.vector_load_idx %arg10[%broadcast_in_dim3A_261, %and3A_622, %add3A_655] : memref<2x128x64xf32, #tpu.memory_space<vmem>>[vector<16xi32>, vector<16xi32>, vector<16xi32>], vector<16xf32>,
        %add3A_657 = arith.addi %mul3A_45, %add3A_631 : vector<16xi32>
        %mul3A_658 = arith.mulf %gather3A_627, %get3A_17 : vector<16xf32>
        %add3A_659 = arith.addf %gather3A_656, %mul3A_658 : vector<16xf32>
        tpu.vector_store_idx %arg11[%add3A_657], %add3A_659 : memref<16384xf32, #tpu.memory_space<vmem>>[vector<16xi32>], vector<16xf32>,
        %scan3A_660 = arith.constant 0 : i32
        %scan3A_661 = arith.constant 6 : i32
        %scan3A_662 = arith.addi %scan3A_392, %scan3A_661 : i32
        %add3A_663 = vector.broadcast %scan3A_662 : i32 to vector<16xi32>
        %add3A_664 = arith.addi %add3A_663, %iota3A_21 : vector<16xi32>
        %and3A_665 = arith.constant 127 : i32
        %and3A_666 = vector.broadcast %and3A_665 : i32 to vector<16xi32>
        %and3A_667 = arith.andi %add3A_664, %and3A_666 : vector<16xi32>
        %mul3A_668 = arith.constant 128 : i32
        %mul3A_669 = arith.muli %rem3A_243, %mul3A_668 : i32
        %add3A_670 = vector.broadcast %mul3A_669 : i32 to vector<16xi32>
        %add3A_671 = arith.addi %and3A_667, %add3A_670 : vector<16xi32>
        %gather3A_672 = tpu.vector_load_idx %arg9[%add3A_671] : memref<256xf32, #tpu.memory_space<vmem>>[vector<16xi32>], vector<16xf32>,
        %mul3A_673 = arith.constant 8192 : i32
        %mul3A_674 = arith.muli %rem3A_243, %mul3A_673 : i32
        %add3A_675 = vector.broadcast %mul3A_674 : i32 to vector<16xi32>
        %add3A_676 = arith.addi %and3A_667, %add3A_675 : vector<16xi32>
        %add3A_677 = arith.constant 0 : i32
        %add3A_678 = vector.broadcast %add3A_677 : i32 to vector<16xi32>
        %add3A_679 = arith.addi %iota3A_21, %add3A_678 : vector<16xi32>
        %gather3A_680 = tpu.vector_load_idx %arg10[%broadcast_in_dim3A_261, %and3A_667, %add3A_679] : memref<2x128x64xf32, #tpu.memory_space<vmem>>[vector<16xi32>, vector<16xi32>, vector<16xi32>], vector<16xf32>,
        %add3A_681 = arith.addi %mul3A_27, %add3A_676 : vector<16xi32>
        %mul3A_682 = arith.mulf %gather3A_672, %get3A_5 : vector<16xf32>
        %add3A_683 = arith.addf %gather3A_680, %mul3A_682 : vector<16xf32>
        tpu.vector_store_idx %arg11[%add3A_681], %add3A_683 : memref<16384xf32, #tpu.memory_space<vmem>>[vector<16xi32>], vector<16xf32>,
        %add3A_684 = arith.constant 16 : i32
        %add3A_685 = vector.broadcast %add3A_684 : i32 to vector<16xi32>
        %add3A_686 = arith.addi %iota3A_21, %add3A_685 : vector<16xi32>
        %gather3A_687 = tpu.vector_load_idx %arg10[%broadcast_in_dim3A_261, %and3A_667, %add3A_686] : memref<2x128x64xf32, #tpu.memory_space<vmem>>[vector<16xi32>, vector<16xi32>, vector<16xi32>], vector<16xf32>,
        %add3A_688 = arith.addi %mul3A_33, %add3A_676 : vector<16xi32>
        %mul3A_689 = arith.mulf %gather3A_672, %get3A_9 : vector<16xf32>
        %add3A_690 = arith.addf %gather3A_687, %mul3A_689 : vector<16xf32>
        tpu.vector_store_idx %arg11[%add3A_688], %add3A_690 : memref<16384xf32, #tpu.memory_space<vmem>>[vector<16xi32>], vector<16xf32>,
        %add3A_691 = arith.constant 32 : i32
        %add3A_692 = vector.broadcast %add3A_691 : i32 to vector<16xi32>
        %add3A_693 = arith.addi %iota3A_21, %add3A_692 : vector<16xi32>
        %gather3A_694 = tpu.vector_load_idx %arg10[%broadcast_in_dim3A_261, %and3A_667, %add3A_693] : memref<2x128x64xf32, #tpu.memory_space<vmem>>[vector<16xi32>, vector<16xi32>, vector<16xi32>], vector<16xf32>,
        %add3A_695 = arith.addi %mul3A_39, %add3A_676 : vector<16xi32>
        %mul3A_696 = arith.mulf %gather3A_672, %get3A_13 : vector<16xf32>
        %add3A_697 = arith.addf %gather3A_694, %mul3A_696 : vector<16xf32>
        tpu.vector_store_idx %arg11[%add3A_695], %add3A_697 : memref<16384xf32, #tpu.memory_space<vmem>>[vector<16xi32>], vector<16xf32>,
        %add3A_698 = arith.constant 48 : i32
        %add3A_699 = vector.broadcast %add3A_698 : i32 to vector<16xi32>
        %add3A_700 = arith.addi %iota3A_21, %add3A_699 : vector<16xi32>
        %gather3A_701 = tpu.vector_load_idx %arg10[%broadcast_in_dim3A_261, %and3A_667, %add3A_700] : memref<2x128x64xf32, #tpu.memory_space<vmem>>[vector<16xi32>, vector<16xi32>, vector<16xi32>], vector<16xf32>,
        %add3A_702 = arith.addi %mul3A_45, %add3A_676 : vector<16xi32>
        %mul3A_703 = arith.mulf %gather3A_672, %get3A_17 : vector<16xf32>
        %add3A_704 = arith.addf %gather3A_701, %mul3A_703 : vector<16xf32>
        tpu.vector_store_idx %arg11[%add3A_702], %add3A_704 : memref<16384xf32, #tpu.memory_space<vmem>>[vector<16xi32>], vector<16xf32>,
        %scan3A_705 = arith.constant 0 : i32
        %scan3A_706 = arith.constant 7 : i32
        %scan3A_707 = arith.addi %scan3A_392, %scan3A_706 : i32
        %add3A_708 = vector.broadcast %scan3A_707 : i32 to vector<16xi32>
        %add3A_709 = arith.addi %add3A_708, %iota3A_21 : vector<16xi32>
        %and3A_710 = arith.constant 127 : i32
        %and3A_711 = vector.broadcast %and3A_710 : i32 to vector<16xi32>
        %and3A_712 = arith.andi %add3A_709, %and3A_711 : vector<16xi32>
        %mul3A_713 = arith.constant 128 : i32
        %mul3A_714 = arith.muli %rem3A_243, %mul3A_713 : i32
        %add3A_715 = vector.broadcast %mul3A_714 : i32 to vector<16xi32>
        %add3A_716 = arith.addi %and3A_712, %add3A_715 : vector<16xi32>
        %gather3A_717 = tpu.vector_load_idx %arg9[%add3A_716] : memref<256xf32, #tpu.memory_space<vmem>>[vector<16xi32>], vector<16xf32>,
        %mul3A_718 = arith.constant 8192 : i32
        %mul3A_719 = arith.muli %rem3A_243, %mul3A_718 : i32
        %add3A_720 = vector.broadcast %mul3A_719 : i32 to vector<16xi32>
        %add3A_721 = arith.addi %and3A_712, %add3A_720 : vector<16xi32>
        %add3A_722 = arith.constant 0 : i32
        %add3A_723 = vector.broadcast %add3A_722 : i32 to vector<16xi32>
        %add3A_724 = arith.addi %iota3A_21, %add3A_723 : vector<16xi32>
        %gather3A_725 = tpu.vector_load_idx %arg10[%broadcast_in_dim3A_261, %and3A_712, %add3A_724] : memref<2x128x64xf32, #tpu.memory_space<vmem>>[vector<16xi32>, vector<16xi32>, vector<16xi32>], vector<16xf32>,
        %add3A_726 = arith.addi %mul3A_27, %add3A_721 : vector<16xi32>
        %mul3A_727 = arith.mulf %gather3A_717, %get3A_5 : vector<16xf32>
        %add3A_728 = arith.addf %gather3A_725, %mul3A_727 : vector<16xf32>
        tpu.vector_store_idx %arg11[%add3A_726], %add3A_728 : memref<16384xf32, #tpu.memory_space<vmem>>[vector<16xi32>], vector<16xf32>,
        %add3A_729 = arith.constant 16 : i32
        %add3A_730 = vector.broadcast %add3A_729 : i32 to vector<16xi32>
        %add3A_731 = arith.addi %iota3A_21, %add3A_730 : vector<16xi32>
        %gather3A_732 = tpu.vector_load_idx %arg10[%broadcast_in_dim3A_261, %and3A_712, %add3A_731] : memref<2x128x64xf32, #tpu.memory_space<vmem>>[vector<16xi32>, vector<16xi32>, vector<16xi32>], vector<16xf32>,
        %add3A_733 = arith.addi %mul3A_33, %add3A_721 : vector<16xi32>
        %mul3A_734 = arith.mulf %gather3A_717, %get3A_9 : vector<16xf32>
        %add3A_735 = arith.addf %gather3A_732, %mul3A_734 : vector<16xf32>
        tpu.vector_store_idx %arg11[%add3A_733], %add3A_735 : memref<16384xf32, #tpu.memory_space<vmem>>[vector<16xi32>], vector<16xf32>,
        %add3A_736 = arith.constant 32 : i32
        %add3A_737 = vector.broadcast %add3A_736 : i32 to vector<16xi32>
        %add3A_738 = arith.addi %iota3A_21, %add3A_737 : vector<16xi32>
        %gather3A_739 = tpu.vector_load_idx %arg10[%broadcast_in_dim3A_261, %and3A_712, %add3A_738] : memref<2x128x64xf32, #tpu.memory_space<vmem>>[vector<16xi32>, vector<16xi32>, vector<16xi32>], vector<16xf32>,
        %add3A_740 = arith.addi %mul3A_39, %add3A_721 : vector<16xi32>
        %mul3A_741 = arith.mulf %gather3A_717, %get3A_13 : vector<16xf32>
        %add3A_742 = arith.addf %gather3A_739, %mul3A_741 : vector<16xf32>
        tpu.vector_store_idx %arg11[%add3A_740], %add3A_742 : memref<16384xf32, #tpu.memory_space<vmem>>[vector<16xi32>], vector<16xf32>,
        %add3A_743 = arith.constant 48 : i32
        %add3A_744 = vector.broadcast %add3A_743 : i32 to vector<16xi32>
        %add3A_745 = arith.addi %iota3A_21, %add3A_744 : vector<16xi32>
        %gather3A_746 = tpu.vector_load_idx %arg10[%broadcast_in_dim3A_261, %and3A_712, %add3A_745] : memref<2x128x64xf32, #tpu.memory_space<vmem>>[vector<16xi32>, vector<16xi32>, vector<16xi32>], vector<16xf32>,
        %add3A_747 = arith.addi %mul3A_45, %add3A_721 : vector<16xi32>
        %mul3A_748 = arith.mulf %gather3A_717, %get3A_17 : vector<16xf32>
        %add3A_749 = arith.addf %gather3A_746, %mul3A_748 : vector<16xf32>
        tpu.vector_store_idx %arg11[%add3A_747], %add3A_749 : memref<16384xf32, #tpu.memory_space<vmem>>[vector<16xi32>], vector<16xf32>,
        %scan3A_750 = arith.constant 0 : i32
        scf.yield %scan3A_750 : i32
      }
      %scan3A_268 = arith.constant 128 : i32
      %mul3A_269 = arith.constant 8192 : i32
      %mul3A_270 = arith.muli %rem3A_243, %mul3A_269 : i32
      %add3A_271 = arith.constant 0 : i32
      %add3A_272 = arith.addi %mul3A_270, %add3A_271 : i32
      %mul3A_273 = arith.constant 262144 : i32
      %mul3A_274 = arith.muli %scan3A_241, %mul3A_273 : i32
      %add3A_275 = arith.constant 0 : i32
      %add3A_276 = arith.addi %mul3A_274, %add3A_275 : i32
      %mul3A_277 = arith.constant 1024 : i32
      %mul3A_278 = arith.muli %add3A, %mul3A_277 : i32
      %add3A_279 = arith.addi %add3A_276, %mul3A_278 : i32
      %add3A_280 = arith.constant 1024 : i32
      %add3A_281 = arith.addi %mul3A_270, %add3A_280 : i32
      %mul3A_282 = arith.constant 262144 : i32
      %mul3A_283 = arith.muli %scan3A_241, %mul3A_282 : i32
      %add3A_284 = arith.constant 32768 : i32
      %add3A_285 = arith.addi %mul3A_283, %add3A_284 : i32
      %mul3A_286 = arith.constant 1024 : i32
      %mul3A_287 = arith.muli %add3A, %mul3A_286 : i32
      %add3A_288 = arith.addi %add3A_285, %mul3A_287 : i32
      %add3A_289 = arith.constant 2048 : i32
      %add3A_290 = arith.addi %mul3A_270, %add3A_289 : i32
      %mul3A_291 = arith.constant 262144 : i32
      %mul3A_292 = arith.muli %scan3A_241, %mul3A_291 : i32
      %add3A_293 = arith.constant 65536 : i32
      %add3A_294 = arith.addi %mul3A_292, %add3A_293 : i32
      %mul3A_295 = arith.constant 1024 : i32
      %mul3A_296 = arith.muli %add3A, %mul3A_295 : i32
      %add3A_297 = arith.addi %add3A_294, %mul3A_296 : i32
      %add3A_298 = arith.constant 3072 : i32
      %add3A_299 = arith.addi %mul3A_270, %add3A_298 : i32
      %mul3A_300 = arith.constant 262144 : i32
      %mul3A_301 = arith.muli %scan3A_241, %mul3A_300 : i32
      %add3A_302 = arith.constant 98304 : i32
      %add3A_303 = arith.addi %mul3A_301, %add3A_302 : i32
      %mul3A_304 = arith.constant 1024 : i32
      %mul3A_305 = arith.muli %add3A, %mul3A_304 : i32
      %add3A_306 = arith.addi %add3A_303, %mul3A_305 : i32
      %add3A_307 = arith.constant 4096 : i32
      %add3A_308 = arith.addi %mul3A_270, %add3A_307 : i32
      %mul3A_309 = arith.constant 262144 : i32
      %mul3A_310 = arith.muli %scan3A_241, %mul3A_309 : i32
      %add3A_311 = arith.constant 131072 : i32
      %add3A_312 = arith.addi %mul3A_310, %add3A_311 : i32
      %mul3A_313 = arith.constant 1024 : i32
      %mul3A_314 = arith.muli %add3A, %mul3A_313 : i32
      %add3A_315 = arith.addi %add3A_312, %mul3A_314 : i32
      %add3A_316 = arith.constant 5120 : i32
      %add3A_317 = arith.addi %mul3A_270, %add3A_316 : i32
      %mul3A_318 = arith.constant 262144 : i32
      %mul3A_319 = arith.muli %scan3A_241, %mul3A_318 : i32
      %add3A_320 = arith.constant 163840 : i32
      %add3A_321 = arith.addi %mul3A_319, %add3A_320 : i32
      %mul3A_322 = arith.constant 1024 : i32
      %mul3A_323 = arith.muli %add3A, %mul3A_322 : i32
      %add3A_324 = arith.addi %add3A_321, %mul3A_323 : i32
      %add3A_325 = arith.constant 6144 : i32
      %add3A_326 = arith.addi %mul3A_270, %add3A_325 : i32
      %mul3A_327 = arith.constant 262144 : i32
      %mul3A_328 = arith.muli %scan3A_241, %mul3A_327 : i32
      %add3A_329 = arith.constant 196608 : i32
      %add3A_330 = arith.addi %mul3A_328, %add3A_329 : i32
      %mul3A_331 = arith.constant 1024 : i32
      %mul3A_332 = arith.muli %add3A, %mul3A_331 : i32
      %add3A_333 = arith.addi %add3A_330, %mul3A_332 : i32
      %add3A_334 = arith.constant 7168 : i32
      %add3A_335 = arith.addi %mul3A_270, %add3A_334 : i32
      %mul3A_336 = arith.constant 262144 : i32
      %mul3A_337 = arith.muli %scan3A_241, %mul3A_336 : i32
      %add3A_338 = arith.constant 229376 : i32
      %add3A_339 = arith.addi %mul3A_337, %add3A_338 : i32
      %mul3A_340 = arith.constant 1024 : i32
      %mul3A_341 = arith.muli %add3A, %mul3A_340 : i32
      %add3A_342 = arith.addi %add3A_339, %mul3A_341 : i32
      %dma_start3A_343 = tpu.memref_slice %arg11[%add3A_272] : memref<16384xf32, #tpu.memory_space<vmem>> -> memref<1024xf32, #tpu.memory_space<vmem>>
      %dma_start3A_344 = tpu.memref_slice %arg5[%add3A_279] : memref<52428800xf32, #tpu.memory_space<hbm>> -> memref<1024xf32, #tpu.memory_space<hbm>>
      %dma_start3A_345 = tpu.memref_slice %arg14[%rem3A_243] : memref<2x!tpu.dma_semaphore, #tpu.memory_space<semaphore_mem>> -> memref<1x!tpu.dma_semaphore, #tpu.memory_space<semaphore_mem>>
      %dma_start3A_346 = tpu.memref_squeeze %dma_start3A_345 : memref<1x!tpu.dma_semaphore, #tpu.memory_space<semaphore_mem>> -> memref<!tpu.dma_semaphore, #tpu.memory_space<semaphore_mem>>
      %dma_start3A_347 = tpu.memref_slice %arg5[%add3A_279] : memref<52428800xf32, #tpu.memory_space<hbm>> -> memref<1024xf32, #tpu.memory_space<hbm>>
      %dma_start3A_348 = tpu.memref_slice %arg11[%add3A_272] : memref<16384xf32, #tpu.memory_space<vmem>> -> memref<1024xf32, #tpu.memory_space<vmem>>
      tpu.enqueue_dma source(%dma_start3A_348 : memref<1024xf32, #tpu.memory_space<vmem>>) target(%dma_start3A_347 : memref<1024xf32, #tpu.memory_space<hbm>>) target_semaphore(%dma_start3A_346 : memref<!tpu.dma_semaphore, #tpu.memory_space<semaphore_mem>>)
      %dma_start3A_349 = tpu.memref_slice %arg11[%add3A_281] : memref<16384xf32, #tpu.memory_space<vmem>> -> memref<1024xf32, #tpu.memory_space<vmem>>
      %dma_start3A_350 = tpu.memref_slice %arg5[%add3A_288] : memref<52428800xf32, #tpu.memory_space<hbm>> -> memref<1024xf32, #tpu.memory_space<hbm>>
      %dma_start3A_351 = tpu.memref_slice %arg14[%rem3A_243] : memref<2x!tpu.dma_semaphore, #tpu.memory_space<semaphore_mem>> -> memref<1x!tpu.dma_semaphore, #tpu.memory_space<semaphore_mem>>
      %dma_start3A_352 = tpu.memref_squeeze %dma_start3A_351 : memref<1x!tpu.dma_semaphore, #tpu.memory_space<semaphore_mem>> -> memref<!tpu.dma_semaphore, #tpu.memory_space<semaphore_mem>>
      %dma_start3A_353 = tpu.memref_slice %arg5[%add3A_288] : memref<52428800xf32, #tpu.memory_space<hbm>> -> memref<1024xf32, #tpu.memory_space<hbm>>
      %dma_start3A_354 = tpu.memref_slice %arg11[%add3A_281] : memref<16384xf32, #tpu.memory_space<vmem>> -> memref<1024xf32, #tpu.memory_space<vmem>>
      tpu.enqueue_dma source(%dma_start3A_354 : memref<1024xf32, #tpu.memory_space<vmem>>) target(%dma_start3A_353 : memref<1024xf32, #tpu.memory_space<hbm>>) target_semaphore(%dma_start3A_352 : memref<!tpu.dma_semaphore, #tpu.memory_space<semaphore_mem>>)
      %dma_start3A_355 = tpu.memref_slice %arg11[%add3A_290] : memref<16384xf32, #tpu.memory_space<vmem>> -> memref<1024xf32, #tpu.memory_space<vmem>>
      %dma_start3A_356 = tpu.memref_slice %arg5[%add3A_297] : memref<52428800xf32, #tpu.memory_space<hbm>> -> memref<1024xf32, #tpu.memory_space<hbm>>
      %dma_start3A_357 = tpu.memref_slice %arg14[%rem3A_243] : memref<2x!tpu.dma_semaphore, #tpu.memory_space<semaphore_mem>> -> memref<1x!tpu.dma_semaphore, #tpu.memory_space<semaphore_mem>>
      %dma_start3A_358 = tpu.memref_squeeze %dma_start3A_357 : memref<1x!tpu.dma_semaphore, #tpu.memory_space<semaphore_mem>> -> memref<!tpu.dma_semaphore, #tpu.memory_space<semaphore_mem>>
      %dma_start3A_359 = tpu.memref_slice %arg5[%add3A_297] : memref<52428800xf32, #tpu.memory_space<hbm>> -> memref<1024xf32, #tpu.memory_space<hbm>>
      %dma_start3A_360 = tpu.memref_slice %arg11[%add3A_290] : memref<16384xf32, #tpu.memory_space<vmem>> -> memref<1024xf32, #tpu.memory_space<vmem>>
      tpu.enqueue_dma source(%dma_start3A_360 : memref<1024xf32, #tpu.memory_space<vmem>>) target(%dma_start3A_359 : memref<1024xf32, #tpu.memory_space<hbm>>) target_semaphore(%dma_start3A_358 : memref<!tpu.dma_semaphore, #tpu.memory_space<semaphore_mem>>)
      %dma_start3A_361 = tpu.memref_slice %arg11[%add3A_299] : memref<16384xf32, #tpu.memory_space<vmem>> -> memref<1024xf32, #tpu.memory_space<vmem>>
      %dma_start3A_362 = tpu.memref_slice %arg5[%add3A_306] : memref<52428800xf32, #tpu.memory_space<hbm>> -> memref<1024xf32, #tpu.memory_space<hbm>>
      %dma_start3A_363 = tpu.memref_slice %arg14[%rem3A_243] : memref<2x!tpu.dma_semaphore, #tpu.memory_space<semaphore_mem>> -> memref<1x!tpu.dma_semaphore, #tpu.memory_space<semaphore_mem>>
      %dma_start3A_364 = tpu.memref_squeeze %dma_start3A_363 : memref<1x!tpu.dma_semaphore, #tpu.memory_space<semaphore_mem>> -> memref<!tpu.dma_semaphore, #tpu.memory_space<semaphore_mem>>
      %dma_start3A_365 = tpu.memref_slice %arg5[%add3A_306] : memref<52428800xf32, #tpu.memory_space<hbm>> -> memref<1024xf32, #tpu.memory_space<hbm>>
      %dma_start3A_366 = tpu.memref_slice %arg11[%add3A_299] : memref<16384xf32, #tpu.memory_space<vmem>> -> memref<1024xf32, #tpu.memory_space<vmem>>
      tpu.enqueue_dma source(%dma_start3A_366 : memref<1024xf32, #tpu.memory_space<vmem>>) target(%dma_start3A_365 : memref<1024xf32, #tpu.memory_space<hbm>>) target_semaphore(%dma_start3A_364 : memref<!tpu.dma_semaphore, #tpu.memory_space<semaphore_mem>>)
      %dma_start3A_367 = tpu.memref_slice %arg11[%add3A_308] : memref<16384xf32, #tpu.memory_space<vmem>> -> memref<1024xf32, #tpu.memory_space<vmem>>
      %dma_start3A_368 = tpu.memref_slice %arg5[%add3A_315] : memref<52428800xf32, #tpu.memory_space<hbm>> -> memref<1024xf32, #tpu.memory_space<hbm>>
      %dma_start3A_369 = tpu.memref_slice %arg14[%rem3A_243] : memref<2x!tpu.dma_semaphore, #tpu.memory_space<semaphore_mem>> -> memref<1x!tpu.dma_semaphore, #tpu.memory_space<semaphore_mem>>
      %dma_start3A_370 = tpu.memref_squeeze %dma_start3A_369 : memref<1x!tpu.dma_semaphore, #tpu.memory_space<semaphore_mem>> -> memref<!tpu.dma_semaphore, #tpu.memory_space<semaphore_mem>>
      %dma_start3A_371 = tpu.memref_slice %arg5[%add3A_315] : memref<52428800xf32, #tpu.memory_space<hbm>> -> memref<1024xf32, #tpu.memory_space<hbm>>
      %dma_start3A_372 = tpu.memref_slice %arg11[%add3A_308] : memref<16384xf32, #tpu.memory_space<vmem>> -> memref<1024xf32, #tpu.memory_space<vmem>>
      tpu.enqueue_dma source(%dma_start3A_372 : memref<1024xf32, #tpu.memory_space<vmem>>) target(%dma_start3A_371 : memref<1024xf32, #tpu.memory_space<hbm>>) target_semaphore(%dma_start3A_370 : memref<!tpu.dma_semaphore, #tpu.memory_space<semaphore_mem>>)
      %dma_start3A_373 = tpu.memref_slice %arg11[%add3A_317] : memref<16384xf32, #tpu.memory_space<vmem>> -> memref<1024xf32, #tpu.memory_space<vmem>>
      %dma_start3A_374 = tpu.memref_slice %arg5[%add3A_324] : memref<52428800xf32, #tpu.memory_space<hbm>> -> memref<1024xf32, #tpu.memory_space<hbm>>
      %dma_start3A_375 = tpu.memref_slice %arg14[%rem3A_243] : memref<2x!tpu.dma_semaphore, #tpu.memory_space<semaphore_mem>> -> memref<1x!tpu.dma_semaphore, #tpu.memory_space<semaphore_mem>>
      %dma_start3A_376 = tpu.memref_squeeze %dma_start3A_375 : memref<1x!tpu.dma_semaphore, #tpu.memory_space<semaphore_mem>> -> memref<!tpu.dma_semaphore, #tpu.memory_space<semaphore_mem>>
      %dma_start3A_377 = tpu.memref_slice %arg5[%add3A_324] : memref<52428800xf32, #tpu.memory_space<hbm>> -> memref<1024xf32, #tpu.memory_space<hbm>>
      %dma_start3A_378 = tpu.memref_slice %arg11[%add3A_317] : memref<16384xf32, #tpu.memory_space<vmem>> -> memref<1024xf32, #tpu.memory_space<vmem>>
      tpu.enqueue_dma source(%dma_start3A_378 : memref<1024xf32, #tpu.memory_space<vmem>>) target(%dma_start3A_377 : memref<1024xf32, #tpu.memory_space<hbm>>) target_semaphore(%dma_start3A_376 : memref<!tpu.dma_semaphore, #tpu.memory_space<semaphore_mem>>)
      %dma_start3A_379 = tpu.memref_slice %arg11[%add3A_326] : memref<16384xf32, #tpu.memory_space<vmem>> -> memref<1024xf32, #tpu.memory_space<vmem>>
      %dma_start3A_380 = tpu.memref_slice %arg5[%add3A_333] : memref<52428800xf32, #tpu.memory_space<hbm>> -> memref<1024xf32, #tpu.memory_space<hbm>>
      %dma_start3A_381 = tpu.memref_slice %arg14[%rem3A_243] : memref<2x!tpu.dma_semaphore, #tpu.memory_space<semaphore_mem>> -> memref<1x!tpu.dma_semaphore, #tpu.memory_space<semaphore_mem>>
      %dma_start3A_382 = tpu.memref_squeeze %dma_start3A_381 : memref<1x!tpu.dma_semaphore, #tpu.memory_space<semaphore_mem>> -> memref<!tpu.dma_semaphore, #tpu.memory_space<semaphore_mem>>
      %dma_start3A_383 = tpu.memref_slice %arg5[%add3A_333] : memref<52428800xf32, #tpu.memory_space<hbm>> -> memref<1024xf32, #tpu.memory_space<hbm>>
      %dma_start3A_384 = tpu.memref_slice %arg11[%add3A_326] : memref<16384xf32, #tpu.memory_space<vmem>> -> memref<1024xf32, #tpu.memory_space<vmem>>
      tpu.enqueue_dma source(%dma_start3A_384 : memref<1024xf32, #tpu.memory_space<vmem>>) target(%dma_start3A_383 : memref<1024xf32, #tpu.memory_space<hbm>>) target_semaphore(%dma_start3A_382 : memref<!tpu.dma_semaphore, #tpu.memory_space<semaphore_mem>>)
      %dma_start3A_385 = tpu.memref_slice %arg11[%add3A_335] : memref<16384xf32, #tpu.memory_space<vmem>> -> memref<1024xf32, #tpu.memory_space<vmem>>
      %dma_start3A_386 = tpu.memref_slice %arg5[%add3A_342] : memref<52428800xf32, #tpu.memory_space<hbm>> -> memref<1024xf32, #tpu.memory_space<hbm>>
      %dma_start3A_387 = tpu.memref_slice %arg14[%rem3A_243] : memref<2x!tpu.dma_semaphore, #tpu.memory_space<semaphore_mem>> -> memref<1x!tpu.dma_semaphore, #tpu.memory_space<semaphore_mem>>
      %dma_start3A_388 = tpu.memref_squeeze %dma_start3A_387 : memref<1x!tpu.dma_semaphore, #tpu.memory_space<semaphore_mem>> -> memref<!tpu.dma_semaphore, #tpu.memory_space<semaphore_mem>>
      %dma_start3A_389 = tpu.memref_slice %arg5[%add3A_342] : memref<52428800xf32, #tpu.memory_space<hbm>> -> memref<1024xf32, #tpu.memory_space<hbm>>
      %dma_start3A_390 = tpu.memref_slice %arg11[%add3A_335] : memref<16384xf32, #tpu.memory_space<vmem>> -> memref<1024xf32, #tpu.memory_space<vmem>>
      tpu.enqueue_dma source(%dma_start3A_390 : memref<1024xf32, #tpu.memory_space<vmem>>) target(%dma_start3A_389 : memref<1024xf32, #tpu.memory_space<hbm>>) target_semaphore(%dma_start3A_388 : memref<!tpu.dma_semaphore, #tpu.memory_space<semaphore_mem>>)
      %scan3A_391 = arith.constant 0 : i32
      scf.yield %scan3A_391 : i32
    }
    %scan3A_219 = arith.constant 200 : i32
    %dma_wait3A = arith.constant 0 : i32
    %dma_wait3A_220 = arith.constant 0 : i32
    %dma_wait3A_221 = tpu.memref_slice %arg11[%dma_wait3A_220] : memref<16384xf32, #tpu.memory_space<vmem>> -> memref<8192xf32, #tpu.memory_space<vmem>>
    %dma_wait3A_222 = arith.constant 0 : i32
    %dma_wait3A_223 = tpu.memref_slice %arg5[%dma_wait3A_222] : memref<52428800xf32, #tpu.memory_space<hbm>> -> memref<8192xf32, #tpu.memory_space<hbm>>
    %dma_wait3A_224 = tpu.memref_slice %arg14[%dma_wait3A] : memref<2x!tpu.dma_semaphore, #tpu.memory_space<semaphore_mem>> -> memref<1x!tpu.dma_semaphore, #tpu.memory_space<semaphore_mem>>
    %dma_wait3A_225 = tpu.memref_squeeze %dma_wait3A_224 : memref<1x!tpu.dma_semaphore, #tpu.memory_space<semaphore_mem>> -> memref<!tpu.dma_semaphore, #tpu.memory_space<semaphore_mem>>
    %dma_wait3A_226 = arith.constant 0 : i32
    %dma_wait3A_227 = tpu.memref_slice %arg11[%dma_wait3A_226] : memref<16384xf32, #tpu.memory_space<vmem>> -> memref<8192xf32, #tpu.memory_space<vmem>>
    %dma_wait3A_228 = arith.constant 0 : i32
    %dma_wait3A_229 = tpu.memref_slice %arg5[%dma_wait3A_228] : memref<52428800xf32, #tpu.memory_space<hbm>> -> memref<8192xf32, #tpu.memory_space<hbm>>
    tpu.wait_dma2 semaphore(%dma_wait3A_225 : memref<!tpu.dma_semaphore, #tpu.memory_space<semaphore_mem>>) src(%dma_wait3A_229 : memref<8192xf32, #tpu.memory_space<hbm>>) dst(%dma_wait3A_227 : memref<8192xf32, #tpu.memory_space<vmem>>)
    %dma_wait3A_230 = arith.constant 1 : i32
    %dma_wait3A_231 = arith.constant 8192 : i32
    %dma_wait3A_232 = tpu.memref_slice %arg11[%dma_wait3A_231] : memref<16384xf32, #tpu.memory_space<vmem>> -> memref<8192xf32, #tpu.memory_space<vmem>>
    %dma_wait3A_233 = arith.constant 0 : i32
    %dma_wait3A_234 = tpu.memref_slice %arg5[%dma_wait3A_233] : memref<52428800xf32, #tpu.memory_space<hbm>> -> memref<8192xf32, #tpu.memory_space<hbm>>
    %dma_wait3A_235 = tpu.memref_slice %arg14[%dma_wait3A_230] : memref<2x!tpu.dma_semaphore, #tpu.memory_space<semaphore_mem>> -> memref<1x!tpu.dma_semaphore, #tpu.memory_space<semaphore_mem>>
    %dma_wait3A_236 = tpu.memref_squeeze %dma_wait3A_235 : memref<1x!tpu.dma_semaphore, #tpu.memory_space<semaphore_mem>> -> memref<!tpu.dma_semaphore, #tpu.memory_space<semaphore_mem>>
    %dma_wait3A_237 = arith.constant 8192 : i32
    %dma_wait3A_238 = tpu.memref_slice %arg11[%dma_wait3A_237] : memref<16384xf32, #tpu.memory_space<vmem>> -> memref<8192xf32, #tpu.memory_space<vmem>>
    %dma_wait3A_239 = arith.constant 0 : i32
    %dma_wait3A_240 = tpu.memref_slice %arg5[%dma_wait3A_239] : memref<52428800xf32, #tpu.memory_space<hbm>> -> memref<8192xf32, #tpu.memory_space<hbm>>
    tpu.wait_dma2 semaphore(%dma_wait3A_236 : memref<!tpu.dma_semaphore, #tpu.memory_space<semaphore_mem>>) src(%dma_wait3A_240 : memref<8192xf32, #tpu.memory_space<hbm>>) dst(%dma_wait3A_238 : memref<8192xf32, #tpu.memory_space<vmem>>)
    return
  }
}

</mosaic_0001>

<sc_bundles>
// kernel: _run.3.cloned.1.call-start
scs
__scs_entry_jumppad:
0x0: {  	(pc) =	sbr.rel $0x88, $3  }
0x1: {  	(tag) =	ssettag $0x0;
	lr =	simm.s32 $0x1  }
0x2: {  	[smem:$0x3F9E] =	sst lr;
	_ =	strace $0xD0000000  }
0x3: {  	_ = 	snop  }
0x4: {  	_ = 	snop  }
0x5: {  	_ = 	snop  }
0x6: {  	_ = 	snop  }
0x7: {  	_ = 	snop  }
__scs_overlays_trampoline_lowered:
0x8: {  	[smem:$0x3FAD] =	sst s0  }
0x9: {  	[smem:$0x3FAE] =	sst s1  }
0xa: {  	[smem:$0x3FAF] =	sst s2  }
0xb: {  	[smem:$0x3FB0] =	sst s3  }
0xc: {  	[smem:$0x3FB1] =	sst s4  }
0xd: {  	[smem:$0x3FB2] =	sst s5  }
0xe: {  	[smem:$0x3FB3] =	sst s6  }
0xf: {  	[smem:$0x3FB4] =	sst s7  }
0x10: {  	[smem:$0x3FB5] =	sst s8  }
0x11: {  	[smem:$0x3FB6] =	sst s9;
	s0 =	simm.s32 @!p0 $0x0  }
0x12: {  	s1 =	sld [smem:$0x3F9C];
	s0 =	simm.s32 @p0 $0x1  }
0x13: {  	[smem:$0x3FB7] =	sst s0;
	s0 =	simm.s32 @!p1 $0x0  }
0x14: {  	s2 =	sld [smem:$0x3F9B];
	s0 =	simm.s32 @p1 $0x1  }
0x15: {  	[smem:$0x3FB8] =	sst s0;
	s0 =	simm.s32 @!p2 $0x0  }
0x16: {  	s3 =	sld [smem:$0x3FDB];
	s0 =	simm.s32 @p2 $0x1  }
0x17: {  	s4 =	simm.s32 $0x1BF5;
	[smem:$0x3FBA] =	sst s0  }
0x18: {  	s0 =	sld [smem:$0x3F9D];
	_ =	swait.ge [sflag:s4], $0x0  }
0x19: {  	s7 =	sld [smem:$0x3F9E]  }
0x1a: {  	s8 =	sadd.s32 $0xFFFFE003, lr  }
0x1b: {  	s9 =	sadd.s32 $0xFFFFFEF7, lr;
	s5 =	simm.s32 $0xFFFFFFFF;
	p2 =	slt.u32 s8, $0xFFFFF086  }
0x1c: {  	p1 =	slt.u32 s9, $0xF7A;
	s5 =	simm.s32 @!p2 $0x0  }
0x1d: {  	s5 =	simm.s32 @p1 $0x1;
	p0 =	seq.s32 s7, s2  }
0x1e: {  	s7 =	smul.u32 @!p0 $0xF7A, s2;
	p2 =	seq.s32 @!p0 s5, $0x0  }
0x1f: {  	s9 =	smul.u32 $0xF7A, s1;
	s8 =	simm.s32 @!p0 $0x1BF5;
	p2 =	por !p2, p0  }
0x20: {  	[sflag:s8] =	ssyncset.s32 @!p0 $0xFFFFF086;
	s6 =	sadd.s32 @!p0 s3, s7;
	s7 =	simm.s32 @!p0 $0x108  }
0x21: {  	s3 =	sadd.s32 s3, s9;
	s6 =	sadd.s32 @!p0 $0x88, s6;
	s7 =	simm.s32 @p2 $0x1082  }
0x22: {  	[simem:s7], [sflag:s8] =	dma.local @!p0 [hbm:s6], $0xF7A  }
0x23: {  	s9 =	sor.u32 $0xD0000000, s2;
	s6 =	simm.s32 $0x108;
	_ =	swait.ge @!p0 [sflag:s8], $0x0  }
0x24: {  	s3 =	sadd.s32 $0x88, s3;
	s6 =	simm.s32 @!p1 $0x1082;
	[sflag:s4] =	ssyncset.s32 $0xFFFFF086  }
0x25: {  	[simem:s6], [sflag:s4] =	dma.local [hbm:s3], $0xF7A  }
0x26: {  	[smem:$0x3F9E] =	sst s1;
	(tag) =	ssettag s2;
	_ =	strace s9  }
0x27: {  	s1 =	sld [smem:$0x3FAE]  }
0x28: {  	s2 =	sld [smem:$0x3FAF]  }
0x29: {  	s4 =	sld [smem:$0x3FB1]  }
0x2a: {  	p0 =	seq.s32 s5, $0x0;
	s5 =	sld [smem:$0x3FB2]  }
0x2b: {  	s6 =	sld [smem:$0x3FB3]  }
0x2c: {  	s7 =	sld [smem:$0x3FB4]  }
0x2d: {  	s3 =	simm.s32 $0x108;
	s8 =	sld [smem:$0x3FB5]  }
0x2e: {  	s3 =	simm.s32 @!p0 $0x1082;
	s9 =	sld [smem:$0x3FB6]  }
0x2f: {  	lr =	sadd.s32 s0, s3;
	s0 =	sld [smem:$0x3FAD]  }
0x30: {  	s3 =	sld [smem:$0x3FB0]  }
0x31: {  	[smem:$0x3FB9] =	sst s10  }
0x32: {  	s10 =	sld [smem:$0x3FB7];
	_ =	sdelay $0x3  }
0x33: {  	p0 =	seq.s32 s10, $0x1;
	s10 =	sld [smem:$0x3FB9];
	_ =	sdelay $0x3  }
0x34: {  	[smem:$0x3FB9] =	sst s10  }
0x35: {  	s10 =	sld [smem:$0x3FB8];
	_ =	sdelay $0x3  }
0x36: {  	p1 =	seq.s32 s10, $0x1;
	s10 =	sld [smem:$0x3FB9];
	_ =	sdelay $0x3  }
0x37: {  	[smem:$0x3FB9] =	sst s10  }
0x38: {  	s10 =	sld [smem:$0x3FBA]  }
0x39: {  	_ = 	snop;
	(pc) =	sbr.ind lr, $3  }
0x3a: {  	_ = 	snop  }
0x3b: {  	_ = 	snop  }
0x3c: {  	p2 =	seq.s32 s10, $0x1;
	s10 =	sld [smem:$0x3FB9]  }
0x3d: {  	_ =	shalt  }
0x3e: {  	_ =	shalt  }
0x3f: {  	_ =	shalt  }
0x40: {  	_ =	shalt  }
0x41: {  	_ =	shalt  }
0x42: {  	_ =	shalt  }
0x43: {  	_ =	shalt  }
0x44: {  	_ =	shalt  }
0x45: {  	_ =	shalt  }
0x46: {  	_ =	shalt  }
0x47: {  	_ =	shalt  }
0x48: {  	_ =	shalt  }
0x49: {  	_ =	shalt  }
0x4a: {  	_ =	shalt  }
0x4b: {  	_ =	shalt  }
0x4c: {  	_ =	shalt  }
0x4d: {  	_ =	shalt  }
0x4e: {  	_ =	shalt  }
0x4f: {  	_ =	shalt  }
0x50: {  	_ =	shalt  }
0x51: {  	_ =	shalt  }
0x52: {  	_ =	shalt  }
0x53: {  	_ =	shalt  }
0x54: {  	_ =	shalt  }
0x55: {  	_ =	shalt  }
0x56: {  	_ =	shalt  }
0x57: {  	_ =	shalt  }
0x58: {  	_ =	shalt  }
0x59: {  	_ =	shalt  }
0x5a: {  	_ =	shalt  }
0x5b: {  	_ =	shalt  }
0x5c: {  	_ =	shalt  }
0x5d: {  	_ =	shalt  }
0x5e: {  	_ =	shalt  }
0x5f: {  	_ =	shalt  }
0x60: {  	_ =	shalt  }
0x61: {  	_ =	shalt  }
0x62: {  	_ =	shalt  }
0x63: {  	_ =	shalt  }
0x64: {  	_ =	shalt  }
0x65: {  	_ =	shalt  }
0x66: {  	_ =	shalt  }
0x67: {  	_ =	shalt  }
0x68: {  	_ =	shalt  }
0x69: {  	_ =	shalt  }
0x6a: {  	_ =	shalt  }
0x6b: {  	_ =	shalt  }
0x6c: {  	_ =	shalt  }
0x6d: {  	_ =	shalt  }
0x6e: {  	_ =	shalt  }
0x6f: {  	_ =	shalt  }
0x70: {  	_ =	shalt  }
0x71: {  	_ =	shalt  }
0x72: {  	_ =	shalt  }
0x73: {  	_ =	shalt  }
0x74: {  	_ =	shalt  }
0x75: {  	_ =	shalt  }
0x76: {  	_ =	shalt  }
0x77: {  	_ =	shalt  }
0x78: {  	_ =	shalt  }
0x79: {  	_ =	shalt  }
0x7a: {  	_ =	shalt  }
0x7b: {  	_ =	shalt  }
0x7c: {  	_ =	shalt  }
0x7d: {  	_ =	shalt  }
0x7e: {  	_ =	shalt  }
0x7f: {  	_ =	shalt  }
0x80: {  	_ =	shalt  }
0x81: {  	_ =	shalt  }
0x82: {  	_ =	shalt  }
0x83: {  	_ =	shalt  }
0x84: {  	_ =	shalt  }
0x85: {  	_ =	shalt  }
0x86: {  	_ =	shalt  }
0x87: {  	_ =	shalt  }
.Lfunc_end0:
.L_simem_size_0:
called_computation_lowered:
.L_overlay_start_0:
0x88: {  	s2 =	sld [smem:$0x3FD9]  }
0x89: {  	s3 =	sld [smem:$0x3FFE];
	_ =	sdelay $0x1  }
0x8a: {  	s1 =	srdreg.scid  }
0x8b: {  	s0 =	sand.u32 $0x1, s1  }
0x8c: {  	s17 =	sshll.u32 s0, $0xA;
	s2 =	sadd.s32 s3, s2  }
0x8d: {  	s2 =	sadd.s32 s2, s17  }
0x8e: {  	[smem:$0x3FC5] =	sst s2  }
0x8f: {  	_ = 	snop  }
0x90: {  	s2 =	sld [smem:$0x3FC8]  }
0x91: {  	s18 =	sld [smem:$0x3FC7]  }
0x92: {  	s4 =	sld [smem:$0x3FD0];
	(tm) =	ssettm $0x1  }
0x93: {  	s5 =	sld [smem:$0x3FFB];
	_ =	sdelay $0x3  }
0x94: {  	_ =	strace s5  }
0x95: {  	s5 =	sld [smem:$0x3FFC];
	_ =	sdelay $0x3  }
0x96: {  	_ =	strace s5  }
0x97: {  	s5 =	sld [smem:$0x3FFD];
	_ =	sdelay $0x3  }
0x98: {  	_ =	strace s5  }
0x99: {  	_ =	strace $0x8FFFFFFF  }
0x9a: {  	s19 =	sld [smem:$0x3FDB];
	_ =	sdelay $0x1  }
0x9b: {  	s6 =	simm.s32 $_scs_section_size  }
0x9c: {  	s7 =	simm.s32 $_size__tile_overlayer_lowered;
	s8 =	simm.s32 $_tile_overlayer_lowered  }
0x9d: {  	s22 =	simm.s32 $0x1BFF;
	s21 =	sshll.u32 s8, $0x1;
	s5 =	sadd.s32 s6, s19  }
0x9e: {  	s9 =	simm.s32 $0x0;
	s20 =	sshll.u32 s7, $0x1;
	s7 =	sadd.s32 s21, s5  }
0x9f: {  	[timem:s9], [sflag:s22] =	dma.local [hbm:s7], s20  }
0xa0: {  	_ =	swait.ge [sflag:s22], s20  }
0xa1: {  	s6 =	ssub.s32 $0x0, s20;
	[sflag:s22] =	ssyncset.done $0x0  }
0xa2: {  	[sflag:s22] =	ssyncadd.s32 s6;
	_ =	sdelay $0x1  }
0xa3: {  	s23 =	simm.s32 $0x1B8B  }
0xa4: {  	_ =	swait.ge [sflag:s23], $0x1  }
0xa5: {  	[sflag:s23] =	ssyncset.done $0x0  }
0xa6: {  	s25 =	simm.s32 $0x1B8E;
	s24 =	sld [smem:$0x3FFE];
	[sflag:s23] =	ssyncadd.s32 $0xFFFFFFFF  }
0xa7: {  	s26 =	simm.s32 $execute0_lowered;
	[smem:$0x3FD2] =	sst s25  }
0xa8: {  	s7 =	sshll.u32 s26, $0x1;
	_ =	strace $0x80000046;
	[dreg:$0x1] =	wrdreg $0xFFFFFFFF  }
0xa9: {  	s28 =	simm.s32 $_size_execute0_lowered;
	s5 =	sadd.s32 s5, s7;
	[dreg:$0x0] =	wrdreg $0x0  }
0xaa: {  	s7 =	sshll.u32 s28, $0x1;
	[dreg:$0x2] =	wrdreg s5  }
0xab: {  	[dreg:$0x3] =	wrdreg s7  }
0xac: {  	[dreg:$0x4] =	wrdreg $0xC0  }
0xad: {  	_ =	task [dreg:s9], $0x5FFFF  }
0xae: {  	[dreg:$0x1] =	wrdreg $0xFFFFFFFF  }
0xaf: {  	[dreg:$0x0] =	wrdreg $0x60  }
0xb0: {  	[dreg:$0x2] =	wrdreg s24  }
0xb1: {  	[dreg:$0x3] =	wrdreg s2  }
0xb2: {  	[dreg:$0x4] =	wrdreg s18  }
0xb3: {  	[dreg:$0x5] =	wrdreg s4  }
0xb4: {  	[dreg:$0x6] =	wrdreg $0x9  }
0xb5: {  	_ =	task.clear_ibuf [dreg:s9], $0x7FFFF;
	_ =	strace $0x90000046  }
0xb6: {  	s29 =	simm.s32 $0x9;
	_ =	strace $0x80000048  }
0xb7: {  	_ =	swait.ge [sflag:s29], $0x1  }
0xb8: {  	[sflag:s29] =	ssyncadd.s32 $0xFFFFFFFF  }
0xb9: {  	_ =	strace $0x90000048  }
0xba: {  	_ =	sfence  }
0xbb: {  	s30 =	sld [smem:$0x0];
	_ =	sdelay $0x2  }
0xbc: {  	s31 =	sshll.u32 s1, $0xD;
	s1 =	sshrl.u32 s1, $0x2  }
0xbd: {  	s3 =	sand.u32 $0x4000, s31;
	s1 =	sadd.s32 s1, s30  }
0xbe: {  	s0 =	sor.u32 s3, s0;
	s1 =	sshll.u32 s1, $0x11  }
0xbf: {  	s0 =	sor.u32 s1, s0  }
0xc0: {  	s0 =	sadd.s32 $0x8F2B, s0  }
0xc1: {  	[sflag:s0] =	ssyncadd.remote.s32 $0x1  }
0xc2: {  	_ =	sfence.sel $0xFFFF  }
0xc3: {  	[dreg:$0x0] =	wrdreg $0xFFFFFFFF;
	(pc) =	sbr.abs _section_cstart, $3  }
0xc4: {  	[dreg:$0x1] =	wrdreg $0xFFFFFFFF  }
0xc5: {  	_ =	task.clear_ibuf [dreg:s9], $0x2FFFF;
	_ =	strace $0x9FFFFFFF  }
0xc6: {  	(tm) =	ssettm $0x7FFFFFFF  }
0xc7: {  	_ =	shalt  }
tec
execute0_lowered:
.L_overlay_start_1:
0x0: {  	(tag) =	ssettag $0x1  }
0x1: {  	s0 =	rddreg [dreg:$0x0]  }
0x2: {  	s1 =	rddreg [dreg:$0x1]  }
0x3: {  	s7 =	rddreg [dreg:$0x2];
	s3 =	srdreg.scid  }
0x4: {  	s5 =	stileid.u32;
	s2 =	rddreg [dreg:$0x3]  }
0x5: {  	s18 =	simm.s32 $0x5;
	s19 =	simm.s32 $0x6400;
	s20 =	simm.s32 $0x80  }
0x6: {  	s22 =	simm.s32 $0xCA00;
	s23 =	simm.s32 $0xC900;
	s24 =	simm.s32 $0x10A00  }
0x7: {  	s25 =	simm.s32 $0x3;
	s26 =	simm.s32 $0x4;
	s28 =	simm.s32 $0x0  }
0x8: {  	s4 =	sand.u32 $0x1, s3;
	s5 =	sshll.u32 s5, $0x1;
	s3 =	simm.s32 $0x0  }
0x9: {  	v0 =	vlaneseq.u32;
	s10 =	sadd.s32 $0x2000, s2;
	s11 =	sadd.s32 $0x3000, s2;
	s12 =	sadd.s32 $0x4000, s2  }
0xa: {  	v1 =	vmul.u32 $0xC8, v0;
	s13 =	sadd.s32 $0x5000, s2;
	s14 =	sadd.s32 $0x6000, s2;
	s15 =	sadd.s32 $0x7000, s2  }
0xb: {  	v7 =	vmul.u32 $0x80, v0;
	v11 =	vor.u32 $0x10, v0;
	v13 =	vor.u32 $0x20, v0;
	s8 =	sor.u32 s4, s5;
	s31 =	ssub.s32 $0x2, s4;
	s4 =	sadd.s32 $0xF42800, s0  }
0xc: {  	v10 =	vand.u32 $0x7, v0;
	v15 =	vor.u32 $0x30, v0;
	[smem:$0x7FF] =	sst s3;
	s0 =	sadd.s32 $0xF42828, s0;
	s9 =	smul.u32 $0xC80, s8;
	v2 =	vadd.s32 $0xC80, v1  }
0xd: {  	_ =	strace $0x80000047;
	s6 =	sshrl.u32 s31, $0x1;
	[dreg:$0x5] =	wrdreg s0;
	v3 =	vadd.s32 $0x1900, v1;
	v4 =	vadd.s32 $0x2580, v1;
	v5 =	vadd.s32 $0x3200, v1  }
0xe: {  	s8 =	sshll.u32 s8, $0x7;
	v6 =	vadd.s32 $0x3E80, v1;
	v8 =	vadd.s32 $0x4B00, v1;
	v9 =	vadd.s32 $0x5780, v1;
	s16 =	ssub.s32 s31, s6;
	s6 =	sadd.s32 s1, s9  }
0xf: {  	v12 =	vor.u32 $0x800, v7;
	v14 =	vor.u32 $0x1000, v7;
	v16 =	vor.u32 $0x1800, v7;
	s7 =	sadd.s32 s7, s9;
	s9 =	sadd.s32 $0x1000, s2;
	s16 =	smax.u32 s16, $0x1  }
.LBB2_1:
0x10: {  	s0 =	rddreg [dreg:$0x5];
	s1 =	simm.s32 $0x14A00  }
0x11: {  	[tilespmem:s1], [sflag:$0x5] =	stream.linear.gather [hbm4b:s0+s3], $0x40, $0x38;
	[tilespmem:$0x14A40] =	vst v63  }
0x12: {  	_ =	swait.ge [sflag:s18], $0x40  }
0x13: {  	[sflag:s18] =	ssyncset.done $0x0  }
0x14: {  	[sflag:s18] =	ssyncadd.s32 $0xFFFFFFC0  }
0x15: {  	v17 =	vld [tilespmem:$0x14A00]  }
0x16: {  	v18 =	vld [tilespmem:$0x14A10]  }
0x17: {  	v19 =	vld [tilespmem:$0x14A20]  }
0x18: {  	v20 =	vld [tilespmem:$0x14A30];
	[tilespmem:s3], [sflag:$0x5] =	stream.linear.gather [hbm4b:s6+s3], $0x6400, $0x38  }
0x19: {  	_ =	swait.ge [sflag:s18], $0x6400  }
0x1a: {  	[sflag:s18] =	ssyncset.done $0x0  }
0x1b: {  	[sflag:s18] =	ssyncadd.s32 $0xFFFF9C00  }
0x1c: {  	[tilespmem:s19], [sflag:$0x5] =	stream.linear.gather [hbm4b:s7+s3], $0x6400, $0x38;
	[tilespmem:$0x14A40] =	vst v63  }
0x1d: {  	_ =	swait.ge [sflag:s18], $0x6400  }
0x1e: {  	[sflag:s18] =	ssyncset.done $0x0  }
0x1f: {  	[sflag:s18] =	ssyncadd.s32 $0xFFFF9C00  }
0x20: {  	v21 =	vld.idx.msk [tilespmem:v1+s3+$0x0], $0xffff;
	_ =	sdelay $0x1  }
0x21: {  	v22 =	vld.idx.msk [tilespmem:v1+s19+$0x0], $0xffff;
	_ =	sdelay $0x2  }
0x22: {  	vm0 =	veq.s32 v21, $0x0  }
0x23: {  	v21 =	vsel vm0, $0x5, v21  }
0x24: {  	[tilespmem:$0xC800] =	vst v21;
	v21 =	vsel vm0, $0xBF800000, v22  }
0x25: {  	[tilespmem:$0xC900] =	vst v21  }
0x26: {  	v21 =	vld.idx.msk [tilespmem:v2+s3+$0x0], $0xffff;
	_ =	sdelay $0x1  }
0x27: {  	v22 =	vld.idx.msk [tilespmem:v2+s19+$0x0], $0xffff;
	_ =	sdelay $0x2  }
0x28: {  	vm9 =	veq.s32 v21, $0x0  }
0x29: {  	v21 =	vsel vm9, $0x5, v21  }
0x2a: {  	[tilespmem:$0xC810] =	vst v21;
	v21 =	vsel vm9, $0xBF800000, v22  }
0x2b: {  	[tilespmem:$0xC910] =	vst v21  }
0x2c: {  	v21 =	vld.idx.msk [tilespmem:v3+s3+$0x0], $0xffff;
	_ =	sdelay $0x1  }
0x2d: {  	v22 =	vld.idx.msk [tilespmem:v3+s19+$0x0], $0xffff;
	_ =	sdelay $0x2  }
0x2e: {  	vm10 =	veq.s32 v21, $0x0  }
0x2f: {  	v21 =	vsel vm10, $0x5, v21  }
0x30: {  	[tilespmem:$0xC820] =	vst v21;
	v21 =	vsel vm10, $0xBF800000, v22  }
0x31: {  	[tilespmem:$0xC920] =	vst v21  }
0x32: {  	v21 =	vld.idx.msk [tilespmem:v4+s3+$0x0], $0xffff;
	_ =	sdelay $0x1  }
0x33: {  	v22 =	vld.idx.msk [tilespmem:v4+s19+$0x0], $0xffff;
	_ =	sdelay $0x2  }
0x34: {  	vm11 =	veq.s32 v21, $0x0  }
0x35: {  	v21 =	vsel vm11, $0x5, v21  }
0x36: {  	[tilespmem:$0xC830] =	vst v21;
	v21 =	vsel vm11, $0xBF800000, v22  }
0x37: {  	[tilespmem:$0xC930] =	vst v21  }
0x38: {  	v21 =	vld.idx.msk [tilespmem:v5+s3+$0x0], $0xffff;
	_ =	sdelay $0x1  }
0x39: {  	v22 =	vld.idx.msk [tilespmem:v5+s19+$0x0], $0xffff;
	_ =	sdelay $0x2  }
0x3a: {  	vm12 =	veq.s32 v21, $0x0  }
0x3b: {  	v21 =	vsel vm12, $0x5, v21  }
0x3c: {  	[tilespmem:$0xC840] =	vst v21;
	v21 =	vsel vm12, $0xBF800000, v22  }
0x3d: {  	[tilespmem:$0xC940] =	vst v21  }
0x3e: {  	v21 =	vld.idx.msk [tilespmem:v6+s3+$0x0], $0xffff;
	_ =	sdelay $0x1  }
0x3f: {  	v22 =	vld.idx.msk [tilespmem:v6+s19+$0x0], $0xffff;
	_ =	sdelay $0x2  }
0x40: {  	vm13 =	veq.s32 v21, $0x0  }
0x41: {  	v21 =	vsel vm13, $0x5, v21  }
0x42: {  	[tilespmem:$0xC850] =	vst v21;
	v21 =	vsel vm13, $0xBF800000, v22  }
0x43: {  	[tilespmem:$0xC950] =	vst v21  }
0x44: {  	v21 =	vld.idx.msk [tilespmem:v8+s3+$0x0], $0xffff;
	_ =	sdelay $0x1  }
0x45: {  	v22 =	vld.idx.msk [tilespmem:v8+s19+$0x0], $0xffff;
	_ =	sdelay $0x2  }
0x46: {  	vm14 =	veq.s32 v21, $0x0  }
0x47: {  	v21 =	vsel vm14, $0x5, v21  }
0x48: {  	[tilespmem:$0xC860] =	vst v21;
	v21 =	vsel vm14, $0xBF800000, v22  }
0x49: {  	[tilespmem:$0xC960] =	vst v21  }
0x4a: {  	v21 =	vld.idx.msk [tilespmem:v9+s3+$0x0], $0xffff;
	_ =	sdelay $0x1  }
0x4b: {  	v22 =	vld.idx.msk [tilespmem:v9+s19+$0x0], $0xffff;
	_ =	sdelay $0x2  }
0x4c: {  	vm15 =	veq.s32 v21, $0x0  }
0x4d: {  	v21 =	vsel vm15, $0x5, v21  }
0x4e: {  	[tilespmem:$0xC870] =	vst v21;
	v21 =	vsel vm15, $0xBF800000, v22  }
0x4f: {  	s31 =	simm.s32 $0xC800;
	s30 =	simm.s32 $0x0;
	[tilespmem:$0xC970] =	vst v21  }
0x50: {  	[tilespmem:s22], [sflag:$0x1] =	stream.indirect.gather [hbm4b:s4+s20], $0x40, s31, s20, $0xb8;
	[tilespmem:$0x14A40] =	vst v63  }
.LBB2_2:
0x51: {  	p0 =	seq.s32 s30, $0x0  }
.Ltmp0:
0x52: {  	_ = 	snop;
	(pc) =	sbr.rel @p0 .LBB2_5-.Ltmp0, $3  }
0x53: {  	_ =	sdelay $0x1  }
0x54: {  	s31 =	sand.u32 $0x1, s30  }
0x55: {  	s29 =	sadd.s32 $0x1, s30;
	s0 =	sxor.u32 $0x1, s31  }
0x56: {  	p0 =	seq.s32 s30, $0xC7  }
.Ltmp1:
0x57: {  	_ = 	snop;
	(pc) =	sbr.rel @p0 .LBB2_6-.Ltmp1, $1  }
0x58: {  	_ =	sdelay $0x3  }
0x59: {  	s1 =	sadd.s32 $0x3, s0  }
0x5a: {  	_ =	swait.ge [sflag:s1], $0x2000  }
0x5b: {  	[sflag:s1] =	ssyncset.done $0x0  }
0x5c: {  	[sflag:s1] =	ssyncadd.s32 $0xFFFFE000  }
.LBB2_5:
0x5d: {  	v21 =	vadd.s32 s29, v1;
	_ =	sdelay $0x4  }
0x5e: {  	v22 =	vld.idx.msk [tilespmem:v21+s3+$0x0], $0xffff;
	_ =	sdelay $0x1  }
0x5f: {  	v21 =	vld.idx.msk [tilespmem:v21+s19+$0x0], $0xffff  }
0x60: {  	s1 =	sadd.s32 $0xC81, s30  }
0x61: {  	v23 =	vadd.s32 s1, v1  }
0x62: {  	vm0 =	veq.s32 v22, $0x0  }
0x63: {  	s1 =	sshll.u32 s0, $0x7;
	v22 =	vsel vm0, $0x5, v22  }
0x64: {  	v21 =	vsel vm0, $0xBF800000, v21;
	[tilespmem:s1+$0xC800] =	vst v22  }
0x65: {  	[tilespmem:s1+$0xC900] =	vst v21  }
0x66: {  	v21 =	vld.idx.msk [tilespmem:v23+s3+$0x0], $0xffff;
	_ =	sdelay $0x1  }
0x67: {  	v22 =	vld.idx.msk [tilespmem:v23+s19+$0x0], $0xffff  }
0x68: {  	s17 =	sadd.s32 $0x1901, s30  }
0x69: {  	v23 =	vadd.s32 s17, v1  }
0x6a: {  	vm9 =	veq.s32 v21, $0x0  }
0x6b: {  	v21 =	vsel vm9, $0x5, v21  }
0x6c: {  	[tilespmem:s1+$0xC810] =	vst v21;
	v21 =	vsel vm9, $0xBF800000, v22  }
0x6d: {  	[tilespmem:s1+$0xC910] =	vst v21  }
0x6e: {  	v21 =	vld.idx.msk [tilespmem:v23+s3+$0x0], $0xffff;
	_ =	sdelay $0x1  }
0x6f: {  	v22 =	vld.idx.msk [tilespmem:v23+s19+$0x0], $0xffff  }
0x70: {  	s21 =	sadd.s32 $0x2581, s30  }
0x71: {  	v23 =	vadd.s32 s21, v1  }
0x72: {  	vm10 =	veq.s32 v21, $0x0  }
0x73: {  	v21 =	vsel vm10, $0x5, v21  }
0x74: {  	[tilespmem:s1+$0xC820] =	vst v21;
	v21 =	vsel vm10, $0xBF800000, v22  }
0x75: {  	[tilespmem:s1+$0xC920] =	vst v21  }
0x76: {  	v21 =	vld.idx.msk [tilespmem:v23+s3+$0x0], $0xffff;
	_ =	sdelay $0x1  }
0x77: {  	v22 =	vld.idx.msk [tilespmem:v23+s19+$0x0], $0xffff  }
0x78: {  	s5 =	sadd.s32 $0x3201, s30  }
0x79: {  	v23 =	vadd.s32 s5, v1  }
0x7a: {  	vm11 =	veq.s32 v21, $0x0  }
0x7b: {  	v21 =	vsel vm11, $0x5, v21  }
0x7c: {  	[tilespmem:s1+$0xC830] =	vst v21;
	v21 =	vsel vm11, $0xBF800000, v22  }
0x7d: {  	[tilespmem:s1+$0xC930] =	vst v21  }
0x7e: {  	v21 =	vld.idx.msk [tilespmem:v23+s3+$0x0], $0xffff;
	_ =	sdelay $0x1  }
0x7f: {  	v22 =	vld.idx.msk [tilespmem:v23+s19+$0x0], $0xffff  }
0x80: {  	s21 =	sadd.s32 $0x3E81, s30  }
0x81: {  	v23 =	vadd.s32 s21, v1  }
0x82: {  	vm12 =	veq.s32 v21, $0x0  }
0x83: {  	v21 =	vsel vm12, $0x5, v21  }
0x84: {  	[tilespmem:s1+$0xC840] =	vst v21;
	v21 =	vsel vm12, $0xBF800000, v22  }
0x85: {  	[tilespmem:s1+$0xC940] =	vst v21  }
0x86: {  	v21 =	vld.idx.msk [tilespmem:v23+s3+$0x0], $0xffff;
	_ =	sdelay $0x1  }
0x87: {  	v22 =	vld.idx.msk [tilespmem:v23+s19+$0x0], $0xffff  }
0x88: {  	s5 =	sadd.s32 $0x4B01, s30  }
0x89: {  	v23 =	vadd.s32 s5, v1  }
0x8a: {  	vm13 =	veq.s32 v21, $0x0  }
0x8b: {  	v21 =	vsel vm13, $0x5, v21  }
0x8c: {  	[tilespmem:s1+$0xC850] =	vst v21;
	v21 =	vsel vm13, $0xBF800000, v22  }
0x8d: {  	[tilespmem:s1+$0xC950] =	vst v21  }
0x8e: {  	v21 =	vld.idx.msk [tilespmem:v23+s3+$0x0], $0xffff;
	_ =	sdelay $0x1  }
0x8f: {  	v22 =	vld.idx.msk [tilespmem:v23+s19+$0x0], $0xffff  }
0x90: {  	s21 =	sadd.s32 $0x5781, s30  }
0x91: {  	v23 =	vadd.s32 s21, v1  }
0x92: {  	vm14 =	veq.s32 v21, $0x0  }
0x93: {  	v21 =	vsel vm14, $0x5, v21  }
0x94: {  	[tilespmem:s1+$0xC860] =	vst v21;
	v21 =	vsel vm14, $0xBF800000, v22  }
0x95: {  	[tilespmem:s1+$0xC960] =	vst v21  }
0x96: {  	v21 =	vld.idx.msk [tilespmem:v23+s3+$0x0], $0xffff;
	_ =	sdelay $0x1  }
0x97: {  	v22 =	vld.idx.msk [tilespmem:v23+s19+$0x0], $0xffff;
	_ =	sdelay $0x2  }
0x98: {  	vm15 =	veq.s32 v21, $0x0  }
0x99: {  	v21 =	vsel vm15, $0x5, v21  }
0x9a: {  	s5 =	sshll.u32 s0, $0xD;
	[tilespmem:s1+$0xC870] =	vst v21;
	v21 =	vsel vm15, $0xBF800000, v22  }
0x9b: {  	s17 =	sadd.s32 $0x1, s0;
	s5 =	sor.u32 $0xCA00, s5;
	s21 =	sor.u32 $0xC800, s1;
	[tilespmem:s1+$0xC970] =	vst v21  }
0x9c: {  	[tilespmem:s5], [sflag:s17] =	stream.indirect.gather [hbm4b:s4+s20], $0x40, s21, s20, $0xb8;
	[tilespmem:$0x14A40] =	vst v63  }
.LBB2_6:
0x9d: {  	s0 =	simm.s32 $0x0  }
0x9e: {  	s17 =	sshll.u32 s31, $0x7;
	v21 =	vadd.s32 s0, v0  }
0x9f: {  	s1 =	sshll.u32 s31, $0xD;
	v23 =	vor.u32 s17, v10;
	v22 =	vand.u32 $0x7F, v21;
	v24 =	vand.u32 $0x78, v21  }
0xa0: {  	v21 =	vmov s1;
	v24 =	vor.u32 v24, v23;
	v25 =	vshll.u32 v22, $0x6  }
0xa1: {  	s5 =	sadd.s32 $0x1, s31;
	v25 =	vor.u32 v21, v25  }
0xa2: {  	_ =	swait.ge [sflag:s5], $0x2000;
	v26 =	vor.u32 v0, v25  }
0xa3: {  	[sflag:s5] =	ssyncset.done $0x0  }
0xa4: {  	[sflag:s5] =	ssyncadd.s32 $0xFFFFE000  }
0xa5: {  	v24 =	vld.idx.msk [tilespmem:v24+s23+$0x0], $0xffff  }
0xa6: {  	v22 =	vor.u32 v21, v22  }
0xa7: {  	v27 =	vor.u32 v7, v22;
	v26 =	vld.idx.msk [tilespmem:v26+s22+$0x0], $0xffff  }
0xa8: {  	v27 =	vand.u32 $0x27F8, v27  }
0xa9: {  	v27 =	vor.u32 v10, v27  }
0xaa: {  	v29 =	vor.u32 v11, v25;
	v28 =	vmul.f32 v24, v17;
	_ =	sdelay $0x1  }
0xab: {  	v26 =	vadd.f32 v28, v26;
	_ =	sdelay $0x1  }
0xac: {  	[tilespmem:v27+s24+$0x0] =	vst.idx.msk $0xffff, v26  }
0xad: {  	v26 =	vor.u32 v12, v22;
	v27 =	vld.idx.msk [tilespmem:v29+s22+$0x0], $0xffff  }
0xae: {  	v26 =	vand.u32 $0x2FF8, v26  }
0xaf: {  	v26 =	vor.u32 v10, v26  }
0xb0: {  	v28 =	vmul.f32 v24, v18;
	v29 =	vor.u32 v13, v25;
	_ =	sdelay $0x1  }
0xb1: {  	v27 =	vadd.f32 v27, v28;
	_ =	sdelay $0x1  }
0xb2: {  	[tilespmem:v26+s24+$0x0] =	vst.idx.msk $0xffff, v27  }
0xb3: {  	v26 =	vor.u32 v14, v22;
	v27 =	vld.idx.msk [tilespmem:v29+s22+$0x0], $0xffff  }
0xb4: {  	v26 =	vand.u32 $0x37F8, v26  }
0xb5: {  	v26 =	vor.u32 v10, v26  }
0xb6: {  	v25 =	vor.u32 v15, v25;
	v28 =	vmul.f32 v24, v19;
	_ =	sdelay $0x1  }
0xb7: {  	v27 =	vadd.f32 v27, v28;
	_ =	sdelay $0x1  }
0xb8: {  	[tilespmem:v26+s24+$0x0] =	vst.idx.msk $0xffff, v27  }
0xb9: {  	s21 =	simm.s32 $0x1;
	v22 =	vor.u32 v16, v22;
	v25 =	vld.idx.msk [tilespmem:v25+s22+$0x0], $0xffff  }
0xba: {  	v26 =	vand.u32 $0x3FF8, v22;
	v27 =	vadd.s32 s21, v0  }
0xbb: {  	v22 =	vmov s17;
	v26 =	vor.u32 v10, v26;
	v28 =	vand.u32 $0x7F, v27  }
0xbc: {  	v24 =	vmul.f32 v24, v20;
	v29 =	vor.u32 v22, v28;
	v30 =	vshll.u32 v28, $0x6  }
0xbd: {  	v30 =	vor.u32 v21, v30  }
0xbe: {  	v24 =	vadd.f32 v25, v24;
	v25 =	vor.u32 v0, v30;
	_ =	sdelay $0x1  }
0xbf: {  	[tilespmem:v26+s24+$0x0] =	vst.idx.msk $0xffff, v24  }
0xc0: {  	v24 =	vld.idx.msk [tilespmem:v29+s23+$0x0], $0xffff  }
0xc1: {  	v26 =	vor.u32 v21, v28  }
0xc2: {  	v28 =	vor.u32 v7, v26;
	v25 =	vld.idx.msk [tilespmem:v25+s22+$0x0], $0xffff  }
0xc3: {  	v27 =	vand.u32 $0x7, v27;
	v28 =	vand.u32 $0x27F8, v28  }
0xc4: {  	v28 =	vor.u32 v27, v28  }
0xc5: {  	v31 =	vor.u32 v11, v30;
	v29 =	vmul.f32 v24, v17;
	_ =	sdelay $0x1  }
0xc6: {  	v25 =	vadd.f32 v29, v25;
	_ =	sdelay $0x1  }
0xc7: {  	[tilespmem:v28+s24+$0x0] =	vst.idx.msk $0xffff, v25  }
0xc8: {  	v25 =	vor.u32 v12, v26;
	v28 =	vld.idx.msk [tilespmem:v31+s22+$0x0], $0xffff  }
0xc9: {  	v25 =	vand.u32 $0x2FF8, v25  }
0xca: {  	v25 =	vor.u32 v27, v25  }
0xcb: {  	v29 =	vmul.f32 v24, v18;
	v31 =	vor.u32 v13, v30;
	_ =	sdelay $0x1  }
0xcc: {  	v28 =	vadd.f32 v28, v29;
	_ =	sdelay $0x1  }
0xcd: {  	[tilespmem:v25+s24+$0x0] =	vst.idx.msk $0xffff, v28  }
0xce: {  	v25 =	vor.u32 v14, v26;
	v28 =	vld.idx.msk [tilespmem:v31+s22+$0x0], $0xffff  }
0xcf: {  	v25 =	vand.u32 $0x37F8, v25  }
0xd0: {  	v25 =	vor.u32 v27, v25  }
0xd1: {  	v30 =	vor.u32 v15, v30;
	v29 =	vmul.f32 v24, v19;
	_ =	sdelay $0x1  }
0xd2: {  	v28 =	vadd.f32 v28, v29;
	_ =	sdelay $0x1  }
0xd3: {  	[tilespmem:v25+s24+$0x0] =	vst.idx.msk $0xffff, v28  }
0xd4: {  	s5 =	simm.s32 $0x2;
	v25 =	vor.u32 v16, v26;
	v26 =	vld.idx.msk [tilespmem:v30+s22+$0x0], $0xffff  }
0xd5: {  	v28 =	vadd.s32 s5, v0;
	v25 =	vand.u32 $0x3FF8, v25  }
0xd6: {  	v25 =	vor.u32 v27, v25;
	v27 =	vand.u32 $0x7F, v28  }
0xd7: {  	v24 =	vmul.f32 v24, v20;
	v29 =	vor.u32 v22, v27;
	v30 =	vshll.u32 v27, $0x6  }
0xd8: {  	v30 =	vor.u32 v21, v30  }
0xd9: {  	v24 =	vadd.f32 v26, v24;
	v26 =	vor.u32 v0, v30;
	_ =	sdelay $0x1  }
0xda: {  	[tilespmem:v25+s24+$0x0] =	vst.idx.msk $0xffff, v24  }
0xdb: {  	v24 =	vld.idx.msk [tilespmem:v29+s23+$0x0], $0xffff  }
0xdc: {  	v25 =	vor.u32 v21, v27  }
0xdd: {  	v27 =	vor.u32 v7, v25;
	v26 =	vld.idx.msk [tilespmem:v26+s22+$0x0], $0xffff  }
0xde: {  	v28 =	vand.u32 $0x7, v28;
	v27 =	vand.u32 $0x27F8, v27  }
0xdf: {  	v27 =	vor.u32 v28, v27  }
0xe0: {  	v31 =	vor.u32 v11, v30;
	v29 =	vmul.f32 v24, v17;
	_ =	sdelay $0x1  }
0xe1: {  	v26 =	vadd.f32 v29, v26;
	_ =	sdelay $0x1  }
0xe2: {  	[tilespmem:v27+s24+$0x0] =	vst.idx.msk $0xffff, v26  }
0xe3: {  	v26 =	vor.u32 v12, v25;
	v27 =	vld.idx.msk [tilespmem:v31+s22+$0x0], $0xffff  }
0xe4: {  	v26 =	vand.u32 $0x2FF8, v26  }
0xe5: {  	v26 =	vor.u32 v28, v26  }
0xe6: {  	v29 =	vmul.f32 v24, v18;
	v31 =	vor.u32 v13, v30;
	_ =	sdelay $0x1  }
0xe7: {  	v27 =	vadd.f32 v27, v29;
	_ =	sdelay $0x1  }
0xe8: {  	[tilespmem:v26+s24+$0x0] =	vst.idx.msk $0xffff, v27  }
0xe9: {  	v26 =	vor.u32 v14, v25;
	v27 =	vld.idx.msk [tilespmem:v31+s22+$0x0], $0xffff  }
0xea: {  	v26 =	vand.u32 $0x37F8, v26  }
0xeb: {  	v26 =	vor.u32 v28, v26  }
0xec: {  	v30 =	vor.u32 v15, v30;
	v29 =	vmul.f32 v24, v19;
	_ =	sdelay $0x1  }
0xed: {  	v27 =	vadd.f32 v27, v29;
	_ =	sdelay $0x1  }
0xee: {  	[tilespmem:v26+s24+$0x0] =	vst.idx.msk $0xffff, v27  }
0xef: {  	s17 =	simm.s32 $0x3;
	v25 =	vor.u32 v16, v25;
	v26 =	vld.idx.msk [tilespmem:v30+s22+$0x0], $0xffff  }
0xf0: {  	v25 =	vand.u32 $0x3FF8, v25;
	v27 =	vadd.s32 s17, v0  }
0xf1: {  	v25 =	vor.u32 v28, v25;
	v28 =	vand.u32 $0x7F, v27  }
0xf2: {  	v24 =	vmul.f32 v24, v20;
	v29 =	vor.u32 v22, v28;
	v30 =	vshll.u32 v28, $0x6  }
0xf3: {  	v30 =	vor.u32 v21, v30  }
0xf4: {  	v24 =	vadd.f32 v26, v24;
	v26 =	vor.u32 v0, v30;
	_ =	sdelay $0x1  }
0xf5: {  	[tilespmem:v25+s24+$0x0] =	vst.idx.msk $0xffff, v24  }
0xf6: {  	v24 =	vld.idx.msk [tilespmem:v29+s23+$0x0], $0xffff  }
0xf7: {  	v25 =	vor.u32 v21, v28  }
0xf8: {  	v28 =	vor.u32 v7, v25;
	v26 =	vld.idx.msk [tilespmem:v26+s22+$0x0], $0xffff  }
0xf9: {  	v27 =	vand.u32 $0x7, v27;
	v28 =	vand.u32 $0x27F8, v28  }
0xfa: {  	v28 =	vor.u32 v27, v28  }
0xfb: {  	v31 =	vor.u32 v11, v30;
	v29 =	vmul.f32 v24, v17;
	_ =	sdelay $0x1  }
0xfc: {  	v26 =	vadd.f32 v29, v26;
	_ =	sdelay $0x1  }
0xfd: {  	[tilespmem:v28+s24+$0x0] =	vst.idx.msk $0xffff, v26  }
0xfe: {  	v26 =	vor.u32 v12, v25;
	v28 =	vld.idx.msk [tilespmem:v31+s22+$0x0], $0xffff  }
0xff: {  	v26 =	vand.u32 $0x2FF8, v26  }
0x100: {  	v26 =	vor.u32 v27, v26  }
0x101: {  	v29 =	vmul.f32 v24, v18;
	v31 =	vor.u32 v13, v30;
	_ =	sdelay $0x1  }
0x102: {  	v28 =	vadd.f32 v28, v29;
	_ =	sdelay $0x1  }
0x103: {  	[tilespmem:v26+s24+$0x0] =	vst.idx.msk $0xffff, v28  }
0x104: {  	v26 =	vor.u32 v14, v25;
	v28 =	vld.idx.msk [tilespmem:v31+s22+$0x0], $0xffff  }
0x105: {  	v26 =	vand.u32 $0x37F8, v26  }
0x106: {  	v26 =	vor.u32 v27, v26  }
0x107: {  	v30 =	vor.u32 v15, v30;
	v29 =	vmul.f32 v24, v19;
	_ =	sdelay $0x1  }
0x108: {  	v28 =	vadd.f32 v28, v29;
	_ =	sdelay $0x1  }
0x109: {  	[tilespmem:v26+s24+$0x0] =	vst.idx.msk $0xffff, v28  }
0x10a: {  	s21 =	simm.s32 $0x4;
	v25 =	vor.u32 v16, v25;
	v26 =	vld.idx.msk [tilespmem:v30+s22+$0x0], $0xffff  }
0x10b: {  	v25 =	vand.u32 $0x3FF8, v25;
	v28 =	vadd.s32 s21, v0  }
0x10c: {  	v25 =	vor.u32 v27, v25;
	v27 =	vand.u32 $0x7F, v28  }
0x10d: {  	v24 =	vmul.f32 v24, v20;
	v29 =	vor.u32 v22, v27;
	v30 =	vshll.u32 v27, $0x6  }
0x10e: {  	v30 =	vor.u32 v21, v30  }
0x10f: {  	v24 =	vadd.f32 v26, v24;
	v26 =	vor.u32 v0, v30;
	_ =	sdelay $0x1  }
0x110: {  	[tilespmem:v25+s24+$0x0] =	vst.idx.msk $0xffff, v24  }
0x111: {  	v24 =	vld.idx.msk [tilespmem:v29+s23+$0x0], $0xffff  }
0x112: {  	v25 =	vor.u32 v21, v27  }
0x113: {  	v27 =	vor.u32 v7, v25;
	v26 =	vld.idx.msk [tilespmem:v26+s22+$0x0], $0xffff  }
0x114: {  	v28 =	vand.u32 $0x7, v28;
	v27 =	vand.u32 $0x27F8, v27  }
0x115: {  	v27 =	vor.u32 v28, v27  }
0x116: {  	v31 =	vor.u32 v11, v30;
	v29 =	vmul.f32 v24, v17;
	_ =	sdelay $0x1  }
0x117: {  	v26 =	vadd.f32 v29, v26;
	_ =	sdelay $0x1  }
0x118: {  	[tilespmem:v27+s24+$0x0] =	vst.idx.msk $0xffff, v26  }
0x119: {  	v26 =	vor.u32 v12, v25;
	v27 =	vld.idx.msk [tilespmem:v31+s22+$0x0], $0xffff  }
0x11a: {  	v26 =	vand.u32 $0x2FF8, v26  }
0x11b: {  	v26 =	vor.u32 v28, v26  }
0x11c: {  	v29 =	vmul.f32 v24, v18;
	v31 =	vor.u32 v13, v30;
	_ =	sdelay $0x1  }
0x11d: {  	v27 =	vadd.f32 v27, v29;
	_ =	sdelay $0x1  }
0x11e: {  	[tilespmem:v26+s24+$0x0] =	vst.idx.msk $0xffff, v27  }
0x11f: {  	v26 =	vor.u32 v14, v25;
	v27 =	vld.idx.msk [tilespmem:v31+s22+$0x0], $0xffff  }
0x120: {  	v26 =	vand.u32 $0x37F8, v26  }
0x121: {  	v26 =	vor.u32 v28, v26  }
0x122: {  	v30 =	vor.u32 v15, v30;
	v29 =	vmul.f32 v24, v19;
	_ =	sdelay $0x1  }
0x123: {  	v27 =	vadd.f32 v27, v29;
	_ =	sdelay $0x1  }
0x124: {  	[tilespmem:v26+s24+$0x0] =	vst.idx.msk $0xffff, v27  }
0x125: {  	s5 =	simm.s32 $0x5;
	v25 =	vor.u32 v16, v25;
	v26 =	vld.idx.msk [tilespmem:v30+s22+$0x0], $0xffff  }
0x126: {  	v25 =	vand.u32 $0x3FF8, v25;
	v27 =	vadd.s32 s5, v0  }
0x127: {  	v25 =	vor.u32 v28, v25;
	v29 =	vand.u32 $0x7F, v27  }
0x128: {  	v24 =	vmul.f32 v24, v20;
	v28 =	vshll.u32 v29, $0x6;
	v30 =	vor.u32 v22, v29  }
0x129: {  	v28 =	vor.u32 v21, v28  }
0x12a: {  	v31 =	vor.u32 v0, v28;
	v24 =	vadd.f32 v26, v24;
	_ =	sdelay $0x1  }
0x12b: {  	[tilespmem:v25+s24+$0x0] =	vst.idx.msk $0xffff, v24  }
0x12c: {  	v24 =	vld.idx.msk [tilespmem:v30+s23+$0x0], $0xffff  }
0x12d: {  	v25 =	vor.u32 v21, v29  }
0x12e: {  	v26 =	vor.u32 v7, v25;
	v29 =	vld.idx.msk [tilespmem:v31+s22+$0x0], $0xffff  }
0x12f: {  	v27 =	vand.u32 $0x7, v27;
	v26 =	vand.u32 $0x27F8, v26  }
0x130: {  	v26 =	vor.u32 v27, v26  }
0x131: {  	v31 =	vor.u32 v11, v28;
	v30 =	vmul.f32 v24, v17;
	_ =	sdelay $0x1  }
0x132: {  	v29 =	vadd.f32 v30, v29;
	_ =	sdelay $0x1  }
0x133: {  	[tilespmem:v26+s24+$0x0] =	vst.idx.msk $0xffff, v29  }
0x134: {  	v26 =	vor.u32 v12, v25;
	v29 =	vld.idx.msk [tilespmem:v31+s22+$0x0], $0xffff  }
0x135: {  	v26 =	vand.u32 $0x2FF8, v26  }
0x136: {  	v26 =	vor.u32 v27, v26  }
0x137: {  	v30 =	vmul.f32 v24, v18;
	v31 =	vor.u32 v13, v28;
	_ =	sdelay $0x1  }
0x138: {  	v29 =	vadd.f32 v29, v30;
	_ =	sdelay $0x1  }
0x139: {  	[tilespmem:v26+s24+$0x0] =	vst.idx.msk $0xffff, v29  }
0x13a: {  	v26 =	vor.u32 v14, v25;
	v29 =	vld.idx.msk [tilespmem:v31+s22+$0x0], $0xffff  }
0x13b: {  	v26 =	vand.u32 $0x37F8, v26  }
0x13c: {  	v26 =	vor.u32 v27, v26  }
0x13d: {  	v28 =	vor.u32 v15, v28;
	v30 =	vmul.f32 v24, v19;
	_ =	sdelay $0x1  }
0x13e: {  	v29 =	vadd.f32 v29, v30;
	_ =	sdelay $0x1  }
0x13f: {  	[tilespmem:v26+s24+$0x0] =	vst.idx.msk $0xffff, v29  }
0x140: {  	s17 =	simm.s32 $0x6;
	v25 =	vor.u32 v16, v25;
	v26 =	vld.idx.msk [tilespmem:v28+s22+$0x0], $0xffff  }
0x141: {  	v25 =	vand.u32 $0x3FF8, v25;
	v28 =	vadd.s32 s17, v0  }
0x142: {  	v25 =	vor.u32 v27, v25;
	v29 =	vand.u32 $0x7F, v28  }
0x143: {  	v24 =	vmul.f32 v24, v20;
	v27 =	vshll.u32 v29, $0x6;
	v30 =	vor.u32 v22, v29  }
0x144: {  	v27 =	vor.u32 v21, v27  }
0x145: {  	v31 =	vor.u32 v0, v27;
	v24 =	vadd.f32 v26, v24;
	_ =	sdelay $0x1  }
0x146: {  	[tilespmem:v25+s24+$0x0] =	vst.idx.msk $0xffff, v24  }
0x147: {  	v24 =	vld.idx.msk [tilespmem:v30+s23+$0x0], $0xffff  }
0x148: {  	v25 =	vor.u32 v21, v29  }
0x149: {  	v26 =	vor.u32 v7, v25;
	v29 =	vld.idx.msk [tilespmem:v31+s22+$0x0], $0xffff  }
0x14a: {  	v28 =	vand.u32 $0x7, v28;
	v26 =	vand.u32 $0x27F8, v26  }
0x14b: {  	v26 =	vor.u32 v28, v26  }
0x14c: {  	v31 =	vor.u32 v11, v27;
	v30 =	vmul.f32 v24, v17;
	_ =	sdelay $0x1  }
0x14d: {  	v29 =	vadd.f32 v30, v29;
	_ =	sdelay $0x1  }
0x14e: {  	[tilespmem:v26+s24+$0x0] =	vst.idx.msk $0xffff, v29  }
0x14f: {  	v26 =	vor.u32 v12, v25;
	v29 =	vld.idx.msk [tilespmem:v31+s22+$0x0], $0xffff  }
0x150: {  	v26 =	vand.u32 $0x2FF8, v26  }
0x151: {  	v26 =	vor.u32 v28, v26  }
0x152: {  	v30 =	vmul.f32 v24, v18;
	v31 =	vor.u32 v13, v27;
	_ =	sdelay $0x1  }
0x153: {  	v29 =	vadd.f32 v29, v30;
	_ =	sdelay $0x1  }
0x154: {  	[tilespmem:v26+s24+$0x0] =	vst.idx.msk $0xffff, v29  }
0x155: {  	v26 =	vor.u32 v14, v25;
	v29 =	vld.idx.msk [tilespmem:v31+s22+$0x0], $0xffff  }
0x156: {  	v26 =	vand.u32 $0x37F8, v26  }
0x157: {  	v26 =	vor.u32 v28, v26  }
0x158: {  	v27 =	vor.u32 v15, v27;
	v30 =	vmul.f32 v24, v19;
	_ =	sdelay $0x1  }
0x159: {  	v29 =	vadd.f32 v29, v30;
	_ =	sdelay $0x1  }
0x15a: {  	[tilespmem:v26+s24+$0x0] =	vst.idx.msk $0xffff, v29  }
0x15b: {  	s21 =	simm.s32 $0x7;
	v25 =	vor.u32 v16, v25;
	v26 =	vld.idx.msk [tilespmem:v27+s22+$0x0], $0xffff  }
0x15c: {  	v25 =	vand.u32 $0x3FF8, v25;
	v27 =	vadd.s32 s21, v0  }
0x15d: {  	v25 =	vor.u32 v28, v25;
	v29 =	vand.u32 $0x7F, v27  }
0x15e: {  	v24 =	vmul.f32 v24, v20;
	v28 =	vshll.u32 v29, $0x6;
	v30 =	vor.u32 v22, v29  }
0x15f: {  	v28 =	vor.u32 v21, v28  }
0x160: {  	v31 =	vor.u32 v0, v28;
	v24 =	vadd.f32 v26, v24;
	_ =	sdelay $0x1  }
0x161: {  	[tilespmem:v25+s24+$0x0] =	vst.idx.msk $0xffff, v24  }
0x162: {  	v24 =	vld.idx.msk [tilespmem:v30+s23+$0x0], $0xffff  }
0x163: {  	v25 =	vor.u32 v21, v29  }
0x164: {  	v26 =	vor.u32 v7, v25;
	v29 =	vld.idx.msk [tilespmem:v31+s22+$0x0], $0xffff  }
0x165: {  	v27 =	vand.u32 $0x7, v27;
	v26 =	vand.u32 $0x27F8, v26  }
0x166: {  	v26 =	vor.u32 v27, v26  }
0x167: {  	v31 =	vor.u32 v11, v28;
	v30 =	vmul.f32 v24, v17;
	_ =	sdelay $0x1  }
0x168: {  	v29 =	vadd.f32 v30, v29;
	_ =	sdelay $0x1  }
0x169: {  	[tilespmem:v26+s24+$0x0] =	vst.idx.msk $0xffff, v29  }
0x16a: {  	v26 =	vor.u32 v12, v25;
	v29 =	vld.idx.msk [tilespmem:v31+s22+$0x0], $0xffff  }
0x16b: {  	v26 =	vand.u32 $0x2FF8, v26  }
0x16c: {  	v26 =	vor.u32 v27, v26  }
0x16d: {  	v30 =	vmul.f32 v24, v18;
	v31 =	vor.u32 v13, v28;
	_ =	sdelay $0x1  }
0x16e: {  	v29 =	vadd.f32 v29, v30;
	_ =	sdelay $0x1  }
0x16f: {  	[tilespmem:v26+s24+$0x0] =	vst.idx.msk $0xffff, v29  }
0x170: {  	v26 =	vor.u32 v14, v25;
	v29 =	vld.idx.msk [tilespmem:v31+s22+$0x0], $0xffff  }
0x171: {  	v26 =	vand.u32 $0x37F8, v26  }
0x172: {  	v26 =	vor.u32 v27, v26  }
0x173: {  	v28 =	vor.u32 v15, v28;
	v30 =	vmul.f32 v24, v19;
	_ =	sdelay $0x1  }
0x174: {  	v29 =	vadd.f32 v29, v30;
	_ =	sdelay $0x1  }
0x175: {  	[tilespmem:v26+s24+$0x0] =	vst.idx.msk $0xffff, v29  }
0x176: {  	s0 =	simm.s32 $0x8;
	v25 =	vor.u32 v16, v25;
	v26 =	vld.idx.msk [tilespmem:v28+s22+$0x0], $0xffff  }
0x177: {  	v32 =	vmul.f32 v24, v20;
	v25 =	vand.u32 $0x3FF8, v25;
	v29 =	vadd.s32 s0, v0  }
0x178: {  	v28 =	vor.u32 v27, v25;
	v25 =	vand.u32 $0x7F, v29;
	v27 =	vand.u32 $0x78, v29  }
0x179: {  	v29 =	vor.u32 v27, v23;
	v33 =	vor.u32 v21, v25;
	v24 =	vshll.u32 v25, $0x6  }
0x17a: {  	v24 =	vor.u32 v21, v24;
	v25 =	vor.u32 v7, v33;
	v27 =	vor.u32 v12, v33  }
0x17b: {  	v31 =	vor.u32 v0, v24;
	v30 =	vand.u32 $0x27F8, v25;
	v32 =	vadd.f32 v26, v32  }
0x17c: {  	s17 =	simm.s32 $0x10;
	v27 =	vand.u32 $0x2FF8, v27;
	v25 =	vor.u32 v16, v33;
	v26 =	vor.u32 v14, v33  }
.LBB2_7:
0x17d: {  	p0 =	slt.u32 s17, $0x78;
	[tilespmem:v28+s24+$0x0] =	vst.idx.msk $0xffff, v32;
	s21 =	smov.u32 s17;
	s17 =	sadd.s32 $0x8, s17  }
0x17e: {  	v28 =	vld.idx.msk [tilespmem:v29+s23+$0x0], $0xffff;
	_ =	sdelay $0x1  }
0x17f: {  	v29 =	vld.idx.msk [tilespmem:v31+s22+$0x0], $0xffff;
	_ =	sdelay $0x2  }
0x180: {  	v30 =	vor.u32 v10, v30  }
0x181: {  	v32 =	vor.u32 v11, v24;
	v31 =	vmul.f32 v28, v17;
	_ =	sdelay $0x1  }
0x182: {  	v29 =	vadd.f32 v31, v29;
	_ =	sdelay $0x1  }
0x183: {  	[tilespmem:v30+s24+$0x0] =	vst.idx.msk $0xffff, v29  }
0x184: {  	v29 =	vld.idx.msk [tilespmem:v32+s22+$0x0], $0xffff;
	_ =	sdelay $0x2  }
0x185: {  	v27 =	vor.u32 v10, v27  }
0x186: {  	v31 =	vor.u32 v13, v24;
	v30 =	vmul.f32 v28, v18;
	_ =	sdelay $0x1  }
0x187: {  	v29 =	vadd.f32 v29, v30;
	_ =	sdelay $0x1  }
0x188: {  	[tilespmem:v27+s24+$0x0] =	vst.idx.msk $0xffff, v29  }
0x189: {  	v27 =	vld.idx.msk [tilespmem:v31+s22+$0x0], $0xffff;
	_ =	sdelay $0x1  }
0x18a: {  	v26 =	vand.u32 $0x37F8, v26  }
0x18b: {  	v26 =	vor.u32 v10, v26  }
0x18c: {  	v24 =	vor.u32 v15, v24;
	v29 =	vmul.f32 v28, v19;
	_ =	sdelay $0x1  }
0x18d: {  	v27 =	vadd.f32 v27, v29;
	_ =	sdelay $0x1  }
0x18e: {  	[tilespmem:v26+s24+$0x0] =	vst.idx.msk $0xffff, v27  }
0x18f: {  	v24 =	vld.idx.msk [tilespmem:v24+s22+$0x0], $0xffff  }
0x190: {  	s5 =	sadd.s32 $0x1, s0  }
0x191: {  	v25 =	vand.u32 $0x3FF8, v25;
	v26 =	vadd.s32 s5, v0  }
0x192: {  	v25 =	vor.u32 v10, v25;
	v27 =	vand.u32 $0x7F, v26  }
0x193: {  	v28 =	vmul.f32 v28, v20;
	v29 =	vor.u32 v22, v27;
	v30 =	vshll.u32 v27, $0x6  }
0x194: {  	v27 =	vor.u32 v21, v27;
	v30 =	vor.u32 v21, v30  }
0x195: {  	v31 =	vor.u32 v7, v27;
	v24 =	vadd.f32 v24, v28;
	v28 =	vor.u32 v0, v30  }
0x196: {  	v32 =	vor.u32 v12, v27;
	v33 =	vor.u32 v14, v27;
	v31 =	vand.u32 $0x27F8, v31  }
0x197: {  	[tilespmem:v25+s24+$0x0] =	vst.idx.msk $0xffff, v24;
	v24 =	vor.u32 v16, v27  }
0x198: {  	v25 =	vld.idx.msk [tilespmem:v29+s23+$0x0], $0xffff;
	_ =	sdelay $0x1  }
0x199: {  	v27 =	vld.idx.msk [tilespmem:v28+s22+$0x0], $0xffff;
	_ =	sdelay $0x1  }
0x19a: {  	v26 =	vand.u32 $0x7, v26  }
0x19b: {  	v28 =	vor.u32 v26, v31  }
0x19c: {  	v31 =	vor.u32 v11, v30;
	v29 =	vmul.f32 v25, v17;
	_ =	sdelay $0x1  }
0x19d: {  	v27 =	vadd.f32 v29, v27;
	_ =	sdelay $0x1  }
0x19e: {  	[tilespmem:v28+s24+$0x0] =	vst.idx.msk $0xffff, v27  }
0x19f: {  	v27 =	vld.idx.msk [tilespmem:v31+s22+$0x0], $0xffff;
	_ =	sdelay $0x1  }
0x1a0: {  	v28 =	vand.u32 $0x2FF8, v32  }
0x1a1: {  	v28 =	vor.u32 v26, v28  }
0x1a2: {  	v29 =	vmul.f32 v25, v18;
	v31 =	vor.u32 v13, v30;
	_ =	sdelay $0x1  }
0x1a3: {  	v27 =	vadd.f32 v27, v29;
	_ =	sdelay $0x1  }
0x1a4: {  	[tilespmem:v28+s24+$0x0] =	vst.idx.msk $0xffff, v27  }
0x1a5: {  	v27 =	vld.idx.msk [tilespmem:v31+s22+$0x0], $0xffff;
	_ =	sdelay $0x1  }
0x1a6: {  	v28 =	vand.u32 $0x37F8, v33  }
0x1a7: {  	v28 =	vor.u32 v26, v28  }
0x1a8: {  	v30 =	vor.u32 v15, v30;
	v29 =	vmul.f32 v25, v19;
	_ =	sdelay $0x1  }
0x1a9: {  	v27 =	vadd.f32 v27, v29;
	_ =	sdelay $0x1  }
0x1aa: {  	[tilespmem:v28+s24+$0x0] =	vst.idx.msk $0xffff, v27  }
0x1ab: {  	v27 =	vld.idx.msk [tilespmem:v30+s22+$0x0], $0xffff  }
0x1ac: {  	s5 =	sadd.s32 $0x2, s0  }
0x1ad: {  	v24 =	vand.u32 $0x3FF8, v24;
	v28 =	vadd.s32 s5, v0  }
0x1ae: {  	v24 =	vor.u32 v26, v24;
	v26 =	vand.u32 $0x7F, v28  }
0x1af: {  	v25 =	vmul.f32 v25, v20;
	v29 =	vor.u32 v22, v26;
	v30 =	vshll.u32 v26, $0x6  }
0x1b0: {  	v26 =	vor.u32 v21, v26;
	v30 =	vor.u32 v21, v30  }
0x1b1: {  	v31 =	vor.u32 v7, v26;
	v25 =	vadd.f32 v27, v25;
	v27 =	vor.u32 v0, v30  }
0x1b2: {  	v32 =	vor.u32 v12, v26;
	v33 =	vor.u32 v14, v26;
	v31 =	vand.u32 $0x27F8, v31  }
0x1b3: {  	v26 =	vor.u32 v16, v26;
	[tilespmem:v24+s24+$0x0] =	vst.idx.msk $0xffff, v25;
	v24 =	vand.u32 $0x2FF8, v32;
	v25 =	vand.u32 $0x37F8, v33  }
0x1b4: {  	v29 =	vld.idx.msk [tilespmem:v29+s23+$0x0], $0xffff;
	_ =	sdelay $0x1  }
0x1b5: {  	v27 =	vld.idx.msk [tilespmem:v27+s22+$0x0], $0xffff;
	_ =	sdelay $0x1  }
0x1b6: {  	v28 =	vand.u32 $0x7, v28  }
0x1b7: {  	v31 =	vor.u32 v28, v31;
	v24 =	vor.u32 v28, v24;
	v25 =	vor.u32 v28, v25  }
0x1b8: {  	v33 =	vor.u32 v11, v30;
	v32 =	vmul.f32 v29, v17;
	_ =	sdelay $0x1  }
0x1b9: {  	v27 =	vadd.f32 v32, v27;
	_ =	sdelay $0x1  }
0x1ba: {  	[tilespmem:v31+s24+$0x0] =	vst.idx.msk $0xffff, v27  }
0x1bb: {  	v27 =	vld.idx.msk [tilespmem:v33+s22+$0x0], $0xffff;
	_ =	sdelay $0x3  }
0x1bc: {  	v32 =	vor.u32 v13, v30;
	v31 =	vmul.f32 v29, v18;
	_ =	sdelay $0x1  }
0x1bd: {  	v27 =	vadd.f32 v27, v31;
	_ =	sdelay $0x1  }
0x1be: {  	[tilespmem:v24+s24+$0x0] =	vst.idx.msk $0xffff, v27  }
0x1bf: {  	v24 =	vld.idx.msk [tilespmem:v32+s22+$0x0], $0xffff;
	_ =	sdelay $0x3  }
0x1c0: {  	v30 =	vor.u32 v15, v30;
	v27 =	vmul.f32 v29, v19;
	_ =	sdelay $0x1  }
0x1c1: {  	v24 =	vadd.f32 v24, v27;
	_ =	sdelay $0x1  }
0x1c2: {  	[tilespmem:v25+s24+$0x0] =	vst.idx.msk $0xffff, v24  }
0x1c3: {  	v24 =	vld.idx.msk [tilespmem:v30+s22+$0x0], $0xffff  }
0x1c4: {  	s5 =	sadd.s32 $0x3, s0  }
0x1c5: {  	v25 =	vand.u32 $0x3FF8, v26;
	v26 =	vadd.s32 s5, v0  }
0x1c6: {  	v25 =	vor.u32 v28, v25;
	v27 =	vand.u32 $0x7F, v26  }
0x1c7: {  	v28 =	vmul.f32 v29, v20;
	v29 =	vor.u32 v22, v27;
	v30 =	vshll.u32 v27, $0x6  }
0x1c8: {  	v27 =	vor.u32 v21, v27;
	v30 =	vor.u32 v21, v30  }
0x1c9: {  	v31 =	vor.u32 v7, v27;
	v24 =	vadd.f32 v24, v28;
	v28 =	vor.u32 v0, v30  }
0x1ca: {  	v32 =	vor.u32 v12, v27;
	v33 =	vor.u32 v14, v27;
	v31 =	vand.u32 $0x27F8, v31  }
0x1cb: {  	[tilespmem:v25+s24+$0x0] =	vst.idx.msk $0xffff, v24;
	v24 =	vand.u32 $0x2FF8, v32;
	v25 =	vor.u32 v16, v27  }
0x1cc: {  	v27 =	vld.idx.msk [tilespmem:v29+s23+$0x0], $0xffff;
	_ =	sdelay $0x1  }
0x1cd: {  	v28 =	vld.idx.msk [tilespmem:v28+s22+$0x0], $0xffff;
	_ =	sdelay $0x1  }
0x1ce: {  	v26 =	vand.u32 $0x7, v26  }
0x1cf: {  	v29 =	vor.u32 v26, v31;
	v24 =	vor.u32 v26, v24  }
0x1d0: {  	v32 =	vor.u32 v11, v30;
	v31 =	vmul.f32 v27, v17;
	_ =	sdelay $0x1  }
0x1d1: {  	v28 =	vadd.f32 v31, v28;
	_ =	sdelay $0x1  }
0x1d2: {  	[tilespmem:v29+s24+$0x0] =	vst.idx.msk $0xffff, v28  }
0x1d3: {  	v28 =	vld.idx.msk [tilespmem:v32+s22+$0x0], $0xffff;
	_ =	sdelay $0x3  }
0x1d4: {  	v31 =	vor.u32 v13, v30;
	v29 =	vmul.f32 v27, v18;
	_ =	sdelay $0x1  }
0x1d5: {  	v28 =	vadd.f32 v28, v29;
	_ =	sdelay $0x1  }
0x1d6: {  	[tilespmem:v24+s24+$0x0] =	vst.idx.msk $0xffff, v28  }
0x1d7: {  	v24 =	vld.idx.msk [tilespmem:v31+s22+$0x0], $0xffff;
	_ =	sdelay $0x1  }
0x1d8: {  	v28 =	vand.u32 $0x37F8, v33  }
0x1d9: {  	v28 =	vor.u32 v26, v28  }
0x1da: {  	v30 =	vor.u32 v15, v30;
	v29 =	vmul.f32 v27, v19;
	_ =	sdelay $0x1  }
0x1db: {  	v24 =	vadd.f32 v24, v29;
	_ =	sdelay $0x1  }
0x1dc: {  	[tilespmem:v28+s24+$0x0] =	vst.idx.msk $0xffff, v24  }
0x1dd: {  	v24 =	vld.idx.msk [tilespmem:v30+s22+$0x0], $0xffff  }
0x1de: {  	s5 =	sadd.s32 $0x4, s0  }
0x1df: {  	v25 =	vand.u32 $0x3FF8, v25;
	v28 =	vadd.s32 s5, v0  }
0x1e0: {  	v25 =	vor.u32 v26, v25;
	v26 =	vand.u32 $0x7F, v28  }
0x1e1: {  	v27 =	vmul.f32 v27, v20;
	v29 =	vor.u32 v22, v26;
	v30 =	vshll.u32 v26, $0x6  }
0x1e2: {  	v26 =	vor.u32 v21, v26;
	v30 =	vor.u32 v21, v30  }
0x1e3: {  	v31 =	vor.u32 v7, v26;
	v24 =	vadd.f32 v24, v27;
	v27 =	vor.u32 v0, v30  }
0x1e4: {  	v32 =	vor.u32 v12, v26;
	v33 =	vor.u32 v14, v26;
	v31 =	vand.u32 $0x27F8, v31  }
0x1e5: {  	[tilespmem:v25+s24+$0x0] =	vst.idx.msk $0xffff, v24;
	v24 =	vand.u32 $0x37F8, v33;
	v25 =	vor.u32 v16, v26  }
0x1e6: {  	v26 =	vld.idx.msk [tilespmem:v29+s23+$0x0], $0xffff;
	_ =	sdelay $0x1  }
0x1e7: {  	v27 =	vld.idx.msk [tilespmem:v27+s22+$0x0], $0xffff;
	_ =	sdelay $0x1  }
0x1e8: {  	v28 =	vand.u32 $0x7, v28  }
0x1e9: {  	v29 =	vor.u32 v28, v31;
	v24 =	vor.u32 v28, v24  }
0x1ea: {  	v33 =	vor.u32 v11, v30;
	v31 =	vmul.f32 v26, v17;
	_ =	sdelay $0x1  }
0x1eb: {  	v27 =	vadd.f32 v31, v27;
	_ =	sdelay $0x1  }
0x1ec: {  	[tilespmem:v29+s24+$0x0] =	vst.idx.msk $0xffff, v27  }
0x1ed: {  	v27 =	vld.idx.msk [tilespmem:v33+s22+$0x0], $0xffff;
	_ =	sdelay $0x1  }
0x1ee: {  	v29 =	vand.u32 $0x2FF8, v32  }
0x1ef: {  	v29 =	vor.u32 v28, v29  }
0x1f0: {  	v31 =	vmul.f32 v26, v18;
	v32 =	vor.u32 v13, v30;
	_ =	sdelay $0x1  }
0x1f1: {  	v27 =	vadd.f32 v27, v31;
	_ =	sdelay $0x1  }
0x1f2: {  	[tilespmem:v29+s24+$0x0] =	vst.idx.msk $0xffff, v27  }
0x1f3: {  	v27 =	vld.idx.msk [tilespmem:v32+s22+$0x0], $0xffff;
	_ =	sdelay $0x3  }
0x1f4: {  	v30 =	vor.u32 v15, v30;
	v29 =	vmul.f32 v26, v19;
	_ =	sdelay $0x1  }
0x1f5: {  	v27 =	vadd.f32 v27, v29;
	_ =	sdelay $0x1  }
0x1f6: {  	[tilespmem:v24+s24+$0x0] =	vst.idx.msk $0xffff, v27  }
0x1f7: {  	s5 =	sadd.s32 $0x5, s0;
	v24 =	vld.idx.msk [tilespmem:v30+s22+$0x0], $0xffff  }
0x1f8: {  	v27 =	vadd.s32 s5, v0  }
0x1f9: {  	v25 =	vand.u32 $0x3FF8, v25;
	v29 =	vand.u32 $0x7F, v27  }
0x1fa: {  	v25 =	vor.u32 v28, v25;
	v28 =	vor.u32 v21, v29;
	v30 =	vshll.u32 v29, $0x6  }
0x1fb: {  	v26 =	vmul.f32 v26, v20;
	v29 =	vor.u32 v22, v29;
	v30 =	vor.u32 v21, v30  }
0x1fc: {  	v32 =	vor.u32 v7, v28;
	v33 =	vor.u32 v12, v28;
	v31 =	vor.u32 v0, v30  }
0x1fd: {  	v24 =	vadd.f32 v24, v26;
	v26 =	vand.u32 $0x27F8, v32;
	v32 =	vor.u32 v14, v28  }
0x1fe: {  	v28 =	vor.u32 v16, v28  }
0x1ff: {  	[tilespmem:v25+s24+$0x0] =	vst.idx.msk $0xffff, v24  }
0x200: {  	v24 =	vld.idx.msk [tilespmem:v29+s23+$0x0], $0xffff  }
0x201: {  	v25 =	vld.idx.msk [tilespmem:v31+s22+$0x0], $0xffff;
	_ =	sdelay $0x2  }
0x202: {  	v27 =	vand.u32 $0x7, v27  }
0x203: {  	v26 =	vor.u32 v27, v26  }
0x204: {  	v31 =	vor.u32 v11, v30;
	v29 =	vmul.f32 v24, v17;
	_ =	sdelay $0x1  }
0x205: {  	v25 =	vadd.f32 v29, v25;
	_ =	sdelay $0x1  }
0x206: {  	[tilespmem:v26+s24+$0x0] =	vst.idx.msk $0xffff, v25  }
0x207: {  	v25 =	vld.idx.msk [tilespmem:v31+s22+$0x0], $0xffff;
	_ =	sdelay $0x1  }
0x208: {  	v26 =	vand.u32 $0x2FF8, v33  }
0x209: {  	v26 =	vor.u32 v27, v26  }
0x20a: {  	v29 =	vmul.f32 v24, v18;
	v31 =	vor.u32 v13, v30;
	_ =	sdelay $0x1  }
0x20b: {  	v25 =	vadd.f32 v25, v29;
	_ =	sdelay $0x1  }
0x20c: {  	[tilespmem:v26+s24+$0x0] =	vst.idx.msk $0xffff, v25  }
0x20d: {  	v25 =	vld.idx.msk [tilespmem:v31+s22+$0x0], $0xffff;
	_ =	sdelay $0x1  }
0x20e: {  	v26 =	vand.u32 $0x37F8, v32  }
0x20f: {  	v26 =	vor.u32 v27, v26  }
0x210: {  	v30 =	vor.u32 v15, v30;
	v29 =	vmul.f32 v24, v19;
	_ =	sdelay $0x1  }
0x211: {  	v25 =	vadd.f32 v25, v29;
	_ =	sdelay $0x1  }
0x212: {  	[tilespmem:v26+s24+$0x0] =	vst.idx.msk $0xffff, v25  }
0x213: {  	s5 =	sadd.s32 $0x6, s0;
	v25 =	vld.idx.msk [tilespmem:v30+s22+$0x0], $0xffff  }
0x214: {  	v26 =	vadd.s32 s5, v0  }
0x215: {  	v28 =	vand.u32 $0x3FF8, v28;
	v29 =	vand.u32 $0x7F, v26  }
0x216: {  	v27 =	vor.u32 v27, v28;
	v28 =	vor.u32 v21, v29;
	v30 =	vshll.u32 v29, $0x6  }
0x217: {  	v24 =	vmul.f32 v24, v20;
	v29 =	vor.u32 v22, v29;
	v30 =	vor.u32 v21, v30  }
0x218: {  	v32 =	vor.u32 v7, v28;
	v33 =	vor.u32 v12, v28;
	v31 =	vor.u32 v0, v30  }
0x219: {  	v24 =	vadd.f32 v25, v24;
	v25 =	vand.u32 $0x27F8, v32;
	v32 =	vor.u32 v14, v28  }
0x21a: {  	v28 =	vor.u32 v16, v28  }
0x21b: {  	[tilespmem:v27+s24+$0x0] =	vst.idx.msk $0xffff, v24  }
0x21c: {  	v24 =	vld.idx.msk [tilespmem:v29+s23+$0x0], $0xffff  }
0x21d: {  	v27 =	vld.idx.msk [tilespmem:v31+s22+$0x0], $0xffff;
	_ =	sdelay $0x2  }
0x21e: {  	v26 =	vand.u32 $0x7, v26  }
0x21f: {  	v25 =	vor.u32 v26, v25  }
0x220: {  	v31 =	vor.u32 v11, v30;
	v29 =	vmul.f32 v24, v17;
	_ =	sdelay $0x1  }
0x221: {  	v27 =	vadd.f32 v29, v27;
	_ =	sdelay $0x1  }
0x222: {  	[tilespmem:v25+s24+$0x0] =	vst.idx.msk $0xffff, v27  }
0x223: {  	v25 =	vld.idx.msk [tilespmem:v31+s22+$0x0], $0xffff;
	_ =	sdelay $0x1  }
0x224: {  	v27 =	vand.u32 $0x2FF8, v33  }
0x225: {  	v27 =	vor.u32 v26, v27  }
0x226: {  	v29 =	vmul.f32 v24, v18;
	v31 =	vor.u32 v13, v30;
	_ =	sdelay $0x1  }
0x227: {  	v25 =	vadd.f32 v25, v29;
	_ =	sdelay $0x1  }
0x228: {  	[tilespmem:v27+s24+$0x0] =	vst.idx.msk $0xffff, v25  }
0x229: {  	v25 =	vld.idx.msk [tilespmem:v31+s22+$0x0], $0xffff;
	_ =	sdelay $0x1  }
0x22a: {  	v27 =	vand.u32 $0x37F8, v32  }
0x22b: {  	v27 =	vor.u32 v26, v27  }
0x22c: {  	v30 =	vor.u32 v15, v30;
	v29 =	vmul.f32 v24, v19;
	_ =	sdelay $0x1  }
0x22d: {  	v25 =	vadd.f32 v25, v29;
	_ =	sdelay $0x1  }
0x22e: {  	[tilespmem:v27+s24+$0x0] =	vst.idx.msk $0xffff, v25  }
0x22f: {  	s5 =	sadd.s32 $0x7, s0;
	s0 =	smov.u32 s21;
	v25 =	vld.idx.msk [tilespmem:v30+s22+$0x0], $0xffff  }
0x230: {  	v27 =	vadd.s32 s5, v0  }
0x231: {  	v28 =	vand.u32 $0x3FF8, v28;
	v29 =	vand.u32 $0x7F, v27  }
0x232: {  	v26 =	vor.u32 v26, v28;
	v28 =	vor.u32 v21, v29;
	v30 =	vshll.u32 v29, $0x6  }
0x233: {  	v24 =	vmul.f32 v24, v20;
	v29 =	vor.u32 v22, v29;
	v30 =	vor.u32 v21, v30  }
0x234: {  	v32 =	vor.u32 v7, v28;
	v33 =	vor.u32 v12, v28;
	v31 =	vor.u32 v0, v30  }
0x235: {  	v24 =	vadd.f32 v25, v24;
	v25 =	vand.u32 $0x27F8, v32;
	v32 =	vor.u32 v14, v28  }
0x236: {  	v28 =	vor.u32 v16, v28  }
0x237: {  	[tilespmem:v26+s24+$0x0] =	vst.idx.msk $0xffff, v24  }
0x238: {  	v24 =	vld.idx.msk [tilespmem:v29+s23+$0x0], $0xffff  }
0x239: {  	v26 =	vld.idx.msk [tilespmem:v31+s22+$0x0], $0xffff;
	_ =	sdelay $0x2  }
0x23a: {  	v27 =	vand.u32 $0x7, v27  }
0x23b: {  	v25 =	vor.u32 v27, v25  }
0x23c: {  	v31 =	vor.u32 v11, v30;
	v29 =	vmul.f32 v24, v17;
	_ =	sdelay $0x1  }
0x23d: {  	v26 =	vadd.f32 v29, v26;
	_ =	sdelay $0x1  }
0x23e: {  	[tilespmem:v25+s24+$0x0] =	vst.idx.msk $0xffff, v26  }
0x23f: {  	v25 =	vld.idx.msk [tilespmem:v31+s22+$0x0], $0xffff;
	_ =	sdelay $0x1  }
0x240: {  	v26 =	vand.u32 $0x2FF8, v33  }
0x241: {  	v26 =	vor.u32 v27, v26  }
0x242: {  	v29 =	vmul.f32 v24, v18;
	v31 =	vor.u32 v13, v30;
	_ =	sdelay $0x1  }
0x243: {  	v25 =	vadd.f32 v25, v29;
	_ =	sdelay $0x1  }
0x244: {  	[tilespmem:v26+s24+$0x0] =	vst.idx.msk $0xffff, v25  }
0x245: {  	v25 =	vld.idx.msk [tilespmem:v31+s22+$0x0], $0xffff;
	_ =	sdelay $0x1  }
0x246: {  	v26 =	vand.u32 $0x37F8, v32  }
0x247: {  	v26 =	vor.u32 v27, v26  }
0x248: {  	v30 =	vor.u32 v15, v30;
	v29 =	vmul.f32 v24, v19;
	_ =	sdelay $0x1  }
0x249: {  	v25 =	vadd.f32 v25, v29;
	_ =	sdelay $0x1  }
0x24a: {  	[tilespmem:v26+s24+$0x0] =	vst.idx.msk $0xffff, v25  }
0x24b: {  	v25 =	vld.idx.msk [tilespmem:v30+s22+$0x0], $0xffff  }
0x24c: {  	v26 =	vand.u32 $0x3FF8, v28  }
0x24d: {  	v29 =	vadd.s32 s0, v0;
	v28 =	vor.u32 v27, v26  }
.Ltmp2:
0x24e: {  	v32 =	vmul.f32 v24, v20;
	v26 =	vand.u32 $0x7F, v29;
	v27 =	vand.u32 $0x78, v29;
	(pc) =	sbr.rel @p0 .LBB2_7-.Ltmp2, $4  }
0x24f: {  	v29 =	vor.u32 v27, v23;
	v33 =	vor.u32 v21, v26;
	v24 =	vshll.u32 v26, $0x6  }
0x250: {  	v24 =	vor.u32 v21, v24;
	v26 =	vor.u32 v7, v33;
	v27 =	vor.u32 v12, v33  }
0x251: {  	v31 =	vor.u32 v0, v24;
	v30 =	vand.u32 $0x27F8, v26;
	v32 =	vadd.f32 v25, v32  }
0x252: {  	v27 =	vand.u32 $0x2FF8, v27;
	v26 =	vor.u32 v14, v33;
	v25 =	vor.u32 v16, v33  }
0x253: {  	_ =	sdelay $0x3  }
0x254: {  	[tilespmem:v28+s24+$0x0] =	vst.idx.msk $0xffff, v32  }
0x255: {  	v23 =	vld.idx.msk [tilespmem:v29+s23+$0x0], $0xffff;
	_ =	sdelay $0x1  }
0x256: {  	v28 =	vld.idx.msk [tilespmem:v31+s22+$0x0], $0xffff;
	_ =	sdelay $0x1  }
0x257: {  	v33 =	vor.u32 v10, v30  }
0x258: {  	v35 =	vor.u32 v11, v24;
	v34 =	vmul.f32 v23, v17;
	_ =	sdelay $0x1  }
0x259: {  	v28 =	vadd.f32 v34, v28;
	_ =	sdelay $0x1  }
0x25a: {  	[tilespmem:v33+s24+$0x0] =	vst.idx.msk $0xffff, v28  }
0x25b: {  	v28 =	vld.idx.msk [tilespmem:v35+s22+$0x0], $0xffff;
	_ =	sdelay $0x1  }
0x25c: {  	v27 =	vor.u32 v10, v27  }
0x25d: {  	v37 =	vor.u32 v13, v24;
	v36 =	vmul.f32 v23, v18;
	_ =	sdelay $0x1  }
0x25e: {  	v28 =	vadd.f32 v28, v36;
	_ =	sdelay $0x1  }
0x25f: {  	[tilespmem:v27+s24+$0x0] =	vst.idx.msk $0xffff, v28  }
0x260: {  	v27 =	vld.idx.msk [tilespmem:v37+s22+$0x0], $0xffff  }
0x261: {  	v26 =	vand.u32 $0x37F8, v26  }
0x262: {  	v26 =	vor.u32 v10, v26  }
0x263: {  	v39 =	vor.u32 v15, v24;
	v38 =	vmul.f32 v23, v19;
	_ =	sdelay $0x1  }
0x264: {  	v27 =	vadd.f32 v27, v38;
	_ =	sdelay $0x1  }
0x265: {  	[tilespmem:v26+s24+$0x0] =	vst.idx.msk $0xffff, v27  }
0x266: {  	s5 =	sadd.s32 $0x1, s0;
	v24 =	vld.idx.msk [tilespmem:v39+s22+$0x0], $0xffff  }
0x267: {  	v25 =	vand.u32 $0x3FF8, v25;
	v40 =	vadd.s32 s5, v0  }
0x268: {  	v25 =	vor.u32 v10, v25;
	v41 =	vand.u32 $0x7F, v40  }
0x269: {  	v42 =	vor.u32 v22, v41;
	v43 =	vshll.u32 v41, $0x6;
	v23 =	vmul.f32 v23, v20  }
0x26a: {  	v29 =	vor.u32 v21, v43  }
0x26b: {  	v44 =	vor.u32 v0, v29;
	v23 =	vadd.f32 v24, v23;
	_ =	sdelay $0x1  }
0x26c: {  	[tilespmem:v25+s24+$0x0] =	vst.idx.msk $0xffff, v23  }
0x26d: {  	v23 =	vld.idx.msk [tilespmem:v42+s23+$0x0], $0xffff  }
0x26e: {  	v45 =	vor.u32 v21, v41  }
0x26f: {  	v27 =	vor.u32 v7, v45;
	v24 =	vld.idx.msk [tilespmem:v44+s22+$0x0], $0xffff  }
0x270: {  	v26 =	vand.u32 $0x7, v40;
	v27 =	vand.u32 $0x27F8, v27  }
0x271: {  	v27 =	vor.u32 v26, v27  }
0x272: {  	v46 =	vor.u32 v11, v29;
	v28 =	vmul.f32 v23, v17;
	_ =	sdelay $0x1  }
0x273: {  	v24 =	vadd.f32 v28, v24;
	_ =	sdelay $0x1  }
0x274: {  	[tilespmem:v27+s24+$0x0] =	vst.idx.msk $0xffff, v24  }
0x275: {  	v47 =	vor.u32 v12, v45;
	v27 =	vld.idx.msk [tilespmem:v46+s22+$0x0], $0xffff  }
0x276: {  	v24 =	vand.u32 $0x2FF8, v47  }
0x277: {  	v24 =	vor.u32 v26, v24  }
0x278: {  	v49 =	vor.u32 v13, v29;
	v48 =	vmul.f32 v23, v18;
	_ =	sdelay $0x1  }
0x279: {  	v27 =	vadd.f32 v27, v48;
	_ =	sdelay $0x1  }
0x27a: {  	[tilespmem:v24+s24+$0x0] =	vst.idx.msk $0xffff, v27  }
0x27b: {  	v50 =	vor.u32 v14, v45;
	v27 =	vld.idx.msk [tilespmem:v49+s22+$0x0], $0xffff  }
0x27c: {  	v24 =	vand.u32 $0x37F8, v50  }
0x27d: {  	v24 =	vor.u32 v26, v24  }
0x27e: {  	v29 =	vor.u32 v15, v29;
	v51 =	vmul.f32 v23, v19;
	_ =	sdelay $0x1  }
0x27f: {  	v27 =	vadd.f32 v27, v51;
	_ =	sdelay $0x1  }
0x280: {  	[tilespmem:v24+s24+$0x0] =	vst.idx.msk $0xffff, v27  }
0x281: {  	s21 =	sadd.s32 $0x2, s0;
	v52 =	vor.u32 v16, v45;
	v53 =	vld.idx.msk [tilespmem:v29+s22+$0x0], $0xffff  }
0x282: {  	v54 =	vadd.s32 s21, v0;
	v24 =	vand.u32 $0x3FF8, v52  }
0x283: {  	v55 =	vand.u32 $0x7F, v54;
	v24 =	vor.u32 v26, v24  }
0x284: {  	v56 =	vor.u32 v22, v55;
	v57 =	vshll.u32 v55, $0x6;
	v23 =	vmul.f32 v23, v20  }
0x285: {  	v29 =	vor.u32 v21, v57  }
0x286: {  	v58 =	vor.u32 v0, v29;
	v23 =	vadd.f32 v53, v23;
	_ =	sdelay $0x1  }
0x287: {  	[tilespmem:v24+s24+$0x0] =	vst.idx.msk $0xffff, v23  }
0x288: {  	v23 =	vld.idx.msk [tilespmem:v56+s23+$0x0], $0xffff  }
0x289: {  	v59 =	vor.u32 v21, v55  }
0x28a: {  	v26 =	vor.u32 v7, v59;
	v25 =	vld.idx.msk [tilespmem:v58+s22+$0x0], $0xffff  }
0x28b: {  	v27 =	vand.u32 $0x7, v54;
	v26 =	vand.u32 $0x27F8, v26  }
0x28c: {  	v26 =	vor.u32 v27, v26  }
0x28d: {  	v60 =	vor.u32 v11, v29;
	v28 =	vmul.f32 v23, v17;
	_ =	sdelay $0x1  }
0x28e: {  	v25 =	vadd.f32 v28, v25;
	_ =	sdelay $0x1  }
0x28f: {  	[tilespmem:v26+s24+$0x0] =	vst.idx.msk $0xffff, v25  }
0x290: {  	v61 =	vor.u32 v12, v59;
	v26 =	vld.idx.msk [tilespmem:v60+s22+$0x0], $0xffff  }
0x291: {  	v25 =	vand.u32 $0x2FF8, v61  }
0x292: {  	v25 =	vor.u32 v27, v25  }
0x293: {  	v63 =	vor.u32 v13, v29;
	v62 =	vmul.f32 v23, v18;
	_ =	sdelay $0x1  }
0x294: {  	v26 =	vadd.f32 v26, v62;
	_ =	sdelay $0x1  }
0x295: {  	[tilespmem:v25+s24+$0x0] =	vst.idx.msk $0xffff, v26  }
0x296: {  	v32 =	vor.u32 v14, v59;
	v26 =	vld.idx.msk [tilespmem:v63+s22+$0x0], $0xffff  }
0x297: {  	v25 =	vand.u32 $0x37F8, v32  }
0x298: {  	v25 =	vor.u32 v27, v25  }
0x299: {  	v29 =	vor.u32 v15, v29;
	v33 =	vmul.f32 v23, v19;
	_ =	sdelay $0x1  }
0x29a: {  	v26 =	vadd.f32 v26, v33;
	_ =	sdelay $0x1  }
0x29b: {  	[tilespmem:v25+s24+$0x0] =	vst.idx.msk $0xffff, v26  }
0x29c: {  	s17 =	sadd.s32 $0x3, s0;
	v24 =	vor.u32 v16, v59;
	v25 =	vld.idx.msk [tilespmem:v29+s22+$0x0], $0xffff  }
0x29d: {  	v34 =	vadd.s32 s17, v0;
	v24 =	vand.u32 $0x3FF8, v24  }
0x29e: {  	v35 =	vand.u32 $0x7F, v34;
	v24 =	vor.u32 v27, v24  }
0x29f: {  	v36 =	vor.u32 v22, v35;
	v37 =	vshll.u32 v35, $0x6;
	v23 =	vmul.f32 v23, v20  }
0x2a0: {  	v29 =	vor.u32 v21, v37  }
0x2a1: {  	v38 =	vor.u32 v0, v29;
	v23 =	vadd.f32 v25, v23;
	_ =	sdelay $0x1  }
0x2a2: {  	[tilespmem:v24+s24+$0x0] =	vst.idx.msk $0xffff, v23  }
0x2a3: {  	v23 =	vld.idx.msk [tilespmem:v36+s23+$0x0], $0xffff  }
0x2a4: {  	v39 =	vor.u32 v21, v35  }
0x2a5: {  	v27 =	vor.u32 v7, v39;
	v25 =	vld.idx.msk [tilespmem:v38+s22+$0x0], $0xffff  }
0x2a6: {  	v27 =	vand.u32 $0x27F8, v27;
	v26 =	vand.u32 $0x7, v34  }
0x2a7: {  	v27 =	vor.u32 v26, v27  }
0x2a8: {  	v40 =	vor.u32 v11, v29;
	v28 =	vmul.f32 v23, v17;
	_ =	sdelay $0x1  }
0x2a9: {  	v25 =	vadd.f32 v28, v25;
	_ =	sdelay $0x1  }
0x2aa: {  	[tilespmem:v27+s24+$0x0] =	vst.idx.msk $0xffff, v25  }
0x2ab: {  	v41 =	vor.u32 v12, v39;
	v27 =	vld.idx.msk [tilespmem:v40+s22+$0x0], $0xffff  }
0x2ac: {  	v25 =	vand.u32 $0x2FF8, v41  }
0x2ad: {  	v25 =	vor.u32 v26, v25  }
0x2ae: {  	v43 =	vor.u32 v13, v29;
	v42 =	vmul.f32 v23, v18;
	_ =	sdelay $0x1  }
0x2af: {  	v27 =	vadd.f32 v27, v42;
	_ =	sdelay $0x1  }
0x2b0: {  	[tilespmem:v25+s24+$0x0] =	vst.idx.msk $0xffff, v27  }
0x2b1: {  	v44 =	vor.u32 v14, v39;
	v27 =	vld.idx.msk [tilespmem:v43+s22+$0x0], $0xffff  }
0x2b2: {  	v25 =	vand.u32 $0x37F8, v44  }
0x2b3: {  	v25 =	vor.u32 v26, v25  }
0x2b4: {  	v29 =	vor.u32 v15, v29;
	v45 =	vmul.f32 v23, v19;
	_ =	sdelay $0x1  }
0x2b5: {  	v27 =	vadd.f32 v27, v45;
	_ =	sdelay $0x1  }
0x2b6: {  	[tilespmem:v25+s24+$0x0] =	vst.idx.msk $0xffff, v27  }
0x2b7: {  	s21 =	sadd.s32 $0x4, s0;
	v24 =	vor.u32 v16, v39;
	v25 =	vld.idx.msk [tilespmem:v29+s22+$0x0], $0xffff  }
0x2b8: {  	v46 =	vadd.s32 s21, v0;
	v24 =	vand.u32 $0x3FF8, v24  }
0x2b9: {  	v47 =	vand.u32 $0x7F, v46;
	v24 =	vor.u32 v26, v24  }
0x2ba: {  	v48 =	vor.u32 v22, v47;
	v49 =	vshll.u32 v47, $0x6;
	v23 =	vmul.f32 v23, v20  }
0x2bb: {  	v29 =	vor.u32 v21, v49  }
0x2bc: {  	v50 =	vor.u32 v0, v29;
	v23 =	vadd.f32 v25, v23;
	_ =	sdelay $0x1  }
0x2bd: {  	[tilespmem:v24+s24+$0x0] =	vst.idx.msk $0xffff, v23  }
0x2be: {  	v23 =	vld.idx.msk [tilespmem:v48+s23+$0x0], $0xffff  }
0x2bf: {  	v51 =	vor.u32 v21, v47  }
0x2c0: {  	v26 =	vor.u32 v7, v51;
	v25 =	vld.idx.msk [tilespmem:v50+s22+$0x0], $0xffff  }
0x2c1: {  	v26 =	vand.u32 $0x27F8, v26;
	v27 =	vand.u32 $0x7, v46  }
0x2c2: {  	v26 =	vor.u32 v27, v26  }
0x2c3: {  	v52 =	vor.u32 v11, v29;
	v28 =	vmul.f32 v23, v17;
	_ =	sdelay $0x1  }
0x2c4: {  	v25 =	vadd.f32 v28, v25;
	_ =	sdelay $0x1  }
0x2c5: {  	[tilespmem:v26+s24+$0x0] =	vst.idx.msk $0xffff, v25  }
0x2c6: {  	v53 =	vor.u32 v12, v51;
	v26 =	vld.idx.msk [tilespmem:v52+s22+$0x0], $0xffff  }
0x2c7: {  	v25 =	vand.u32 $0x2FF8, v53  }
0x2c8: {  	v25 =	vor.u32 v27, v25  }
0x2c9: {  	v55 =	vor.u32 v13, v29;
	v54 =	vmul.f32 v23, v18;
	_ =	sdelay $0x1  }
0x2ca: {  	v26 =	vadd.f32 v26, v54;
	_ =	sdelay $0x1  }
0x2cb: {  	[tilespmem:v25+s24+$0x0] =	vst.idx.msk $0xffff, v26  }
0x2cc: {  	v56 =	vor.u32 v14, v51;
	v26 =	vld.idx.msk [tilespmem:v55+s22+$0x0], $0xffff  }
0x2cd: {  	v25 =	vand.u32 $0x37F8, v56  }
0x2ce: {  	v25 =	vor.u32 v27, v25  }
0x2cf: {  	v29 =	vor.u32 v15, v29;
	v57 =	vmul.f32 v23, v19;
	_ =	sdelay $0x1  }
0x2d0: {  	v26 =	vadd.f32 v26, v57;
	_ =	sdelay $0x1  }
0x2d1: {  	[tilespmem:v25+s24+$0x0] =	vst.idx.msk $0xffff, v26  }
0x2d2: {  	s17 =	sadd.s32 $0x5, s0;
	v24 =	vor.u32 v16, v51;
	v25 =	vld.idx.msk [tilespmem:v29+s22+$0x0], $0xffff  }
0x2d3: {  	v58 =	vadd.s32 s17, v0;
	v24 =	vand.u32 $0x3FF8, v24  }
0x2d4: {  	v59 =	vand.u32 $0x7F, v58;
	v24 =	vor.u32 v27, v24  }
0x2d5: {  	v61 =	vor.u32 v22, v59;
	v60 =	vshll.u32 v59, $0x6;
	v23 =	vmul.f32 v23, v20  }
0x2d6: {  	v27 =	vor.u32 v21, v60  }
0x2d7: {  	v62 =	vor.u32 v0, v27;
	v23 =	vadd.f32 v25, v23;
	_ =	sdelay $0x1  }
0x2d8: {  	[tilespmem:v24+s24+$0x0] =	vst.idx.msk $0xffff, v23  }
0x2d9: {  	v23 =	vld.idx.msk [tilespmem:v61+s23+$0x0], $0xffff  }
0x2da: {  	v63 =	vor.u32 v21, v59  }
0x2db: {  	v32 =	vor.u32 v7, v63;
	v33 =	vld.idx.msk [tilespmem:v62+s22+$0x0], $0xffff  }
0x2dc: {  	v26 =	vand.u32 $0x7, v58;
	v25 =	vand.u32 $0x27F8, v32  }
0x2dd: {  	v25 =	vor.u32 v26, v25  }
0x2de: {  	v34 =	vor.u32 v11, v27;
	v29 =	vmul.f32 v23, v17;
	_ =	sdelay $0x1  }
0x2df: {  	v28 =	vadd.f32 v29, v33;
	_ =	sdelay $0x1  }
0x2e0: {  	[tilespmem:v25+s24+$0x0] =	vst.idx.msk $0xffff, v28  }
0x2e1: {  	v35 =	vor.u32 v12, v63;
	v28 =	vld.idx.msk [tilespmem:v34+s22+$0x0], $0xffff  }
0x2e2: {  	v25 =	vand.u32 $0x2FF8, v35  }
0x2e3: {  	v25 =	vor.u32 v26, v25  }
0x2e4: {  	v37 =	vor.u32 v13, v27;
	v36 =	vmul.f32 v23, v18;
	_ =	sdelay $0x1  }
0x2e5: {  	v28 =	vadd.f32 v28, v36;
	_ =	sdelay $0x1  }
0x2e6: {  	[tilespmem:v25+s24+$0x0] =	vst.idx.msk $0xffff, v28  }
0x2e7: {  	v38 =	vor.u32 v14, v63;
	v28 =	vld.idx.msk [tilespmem:v37+s22+$0x0], $0xffff  }
0x2e8: {  	v25 =	vand.u32 $0x37F8, v38  }
0x2e9: {  	v25 =	vor.u32 v26, v25  }
0x2ea: {  	v27 =	vor.u32 v15, v27;
	v39 =	vmul.f32 v23, v19;
	_ =	sdelay $0x1  }
0x2eb: {  	v28 =	vadd.f32 v28, v39;
	_ =	sdelay $0x1  }
0x2ec: {  	[tilespmem:v25+s24+$0x0] =	vst.idx.msk $0xffff, v28  }
0x2ed: {  	s21 =	sadd.s32 $0x6, s0;
	v24 =	vor.u32 v16, v63;
	v25 =	vld.idx.msk [tilespmem:v27+s22+$0x0], $0xffff  }
0x2ee: {  	v40 =	vadd.s32 s21, v0;
	v24 =	vand.u32 $0x3FF8, v24  }
0x2ef: {  	v41 =	vand.u32 $0x7F, v40;
	v24 =	vor.u32 v26, v24  }
0x2f0: {  	v42 =	vshll.u32 v41, $0x6;
	v43 =	vor.u32 v22, v41;
	v23 =	vmul.f32 v23, v20  }
0x2f1: {  	v26 =	vor.u32 v21, v42  }
0x2f2: {  	v44 =	vor.u32 v0, v26;
	v23 =	vadd.f32 v25, v23;
	_ =	sdelay $0x1  }
0x2f3: {  	[tilespmem:v24+s24+$0x0] =	vst.idx.msk $0xffff, v23  }
0x2f4: {  	v23 =	vld.idx.msk [tilespmem:v43+s23+$0x0], $0xffff  }
0x2f5: {  	v45 =	vor.u32 v21, v41  }
0x2f6: {  	v46 =	vor.u32 v7, v45;
	v47 =	vld.idx.msk [tilespmem:v44+s22+$0x0], $0xffff  }
0x2f7: {  	v27 =	vand.u32 $0x7, v40;
	v25 =	vand.u32 $0x27F8, v46  }
0x2f8: {  	v25 =	vor.u32 v27, v25  }
0x2f9: {  	v48 =	vor.u32 v11, v26;
	v29 =	vmul.f32 v23, v17;
	_ =	sdelay $0x1  }
0x2fa: {  	v28 =	vadd.f32 v29, v47;
	_ =	sdelay $0x1  }
0x2fb: {  	[tilespmem:v25+s24+$0x0] =	vst.idx.msk $0xffff, v28  }
0x2fc: {  	v49 =	vor.u32 v12, v45;
	v28 =	vld.idx.msk [tilespmem:v48+s22+$0x0], $0xffff  }
0x2fd: {  	v25 =	vand.u32 $0x2FF8, v49  }
0x2fe: {  	v25 =	vor.u32 v27, v25  }
0x2ff: {  	v51 =	vor.u32 v13, v26;
	v50 =	vmul.f32 v23, v18;
	_ =	sdelay $0x1  }
0x300: {  	v28 =	vadd.f32 v28, v50;
	_ =	sdelay $0x1  }
0x301: {  	[tilespmem:v25+s24+$0x0] =	vst.idx.msk $0xffff, v28  }
0x302: {  	v52 =	vor.u32 v14, v45;
	v28 =	vld.idx.msk [tilespmem:v51+s22+$0x0], $0xffff  }
0x303: {  	v25 =	vand.u32 $0x37F8, v52  }
0x304: {  	v25 =	vor.u32 v27, v25  }
0x305: {  	v26 =	vor.u32 v15, v26;
	v53 =	vmul.f32 v23, v19;
	_ =	sdelay $0x1  }
0x306: {  	v28 =	vadd.f32 v28, v53;
	_ =	sdelay $0x1  }
0x307: {  	[tilespmem:v25+s24+$0x0] =	vst.idx.msk $0xffff, v28  }
0x308: {  	s5 =	sadd.s32 $0x7, s0;
	v24 =	vor.u32 v16, v45;
	v25 =	vld.idx.msk [tilespmem:v26+s22+$0x0], $0xffff  }
0x309: {  	v54 =	vadd.s32 s5, v0;
	v24 =	vand.u32 $0x3FF8, v24  }
0x30a: {  	v55 =	vand.u32 $0x7F, v54;
	v24 =	vor.u32 v27, v24  }
0x30b: {  	v56 =	vshll.u32 v55, $0x6;
	v22 =	vor.u32 v22, v55;
	v23 =	vmul.f32 v23, v20  }
0x30c: {  	v27 =	vor.u32 v21, v56  }
0x30d: {  	v57 =	vor.u32 v0, v27;
	v23 =	vadd.f32 v25, v23;
	_ =	sdelay $0x1  }
0x30e: {  	[tilespmem:v24+s24+$0x0] =	vst.idx.msk $0xffff, v23  }
0x30f: {  	v22 =	vld.idx.msk [tilespmem:v22+s23+$0x0], $0xffff  }
0x310: {  	v21 =	vor.u32 v21, v55  }
0x311: {  	v23 =	vor.u32 v7, v21;
	v24 =	vld.idx.msk [tilespmem:v57+s22+$0x0], $0xffff  }
0x312: {  	v58 =	vand.u32 $0x7, v54;
	v23 =	vand.u32 $0x27F8, v23  }
0x313: {  	v23 =	vor.u32 v58, v23  }
0x314: {  	v60 =	vor.u32 v11, v27;
	v59 =	vmul.f32 v22, v17;
	_ =	sdelay $0x1  }
0x315: {  	v24 =	vadd.f32 v59, v24;
	_ =	sdelay $0x1  }
0x316: {  	[tilespmem:v23+s24+$0x0] =	vst.idx.msk $0xffff, v24  }
0x317: {  	v23 =	vor.u32 v12, v21;
	v24 =	vld.idx.msk [tilespmem:v60+s22+$0x0], $0xffff  }
0x318: {  	v23 =	vand.u32 $0x2FF8, v23  }
0x319: {  	v23 =	vor.u32 v58, v23  }
0x31a: {  	v62 =	vor.u32 v13, v27;
	v61 =	vmul.f32 v22, v18;
	_ =	sdelay $0x1  }
0x31b: {  	v24 =	vadd.f32 v24, v61;
	_ =	sdelay $0x1  }
0x31c: {  	[tilespmem:v23+s24+$0x0] =	vst.idx.msk $0xffff, v24  }
0x31d: {  	v23 =	vor.u32 v14, v21;
	v24 =	vld.idx.msk [tilespmem:v62+s22+$0x0], $0xffff  }
0x31e: {  	v23 =	vand.u32 $0x37F8, v23  }
0x31f: {  	v23 =	vor.u32 v58, v23  }
0x320: {  	v27 =	vor.u32 v15, v27;
	v63 =	vmul.f32 v22, v19;
	_ =	sdelay $0x1  }
0x321: {  	v24 =	vadd.f32 v24, v63;
	_ =	sdelay $0x1  }
0x322: {  	[tilespmem:v23+s24+$0x0] =	vst.idx.msk $0xffff, v24  }
0x323: {  	v21 =	vor.u32 v16, v21;
	v23 =	vld.idx.msk [tilespmem:v27+s22+$0x0], $0xffff  }
0x324: {  	v21 =	vand.u32 $0x3FF8, v21  }
0x325: {  	v21 =	vor.u32 v58, v21  }
0x326: {  	v22 =	vmul.f32 v22, v20;
	_ =	sdelay $0x1  }
0x327: {  	s17 =	sshll.u32 s30, $0xF;
	v22 =	vadd.f32 v23, v22  }
0x328: {  	s0 =	sor.u32 s8, s17  }
0x329: {  	s17 =	sadd.s32 s2, s0;
	s21 =	sor.u32 $0x10A00, s1;
	s5 =	sadd.s32 $0x3, s31;
	[tilespmem:v21+s24+$0x0] =	vst.idx.msk $0xffff, v22  }
0x32a: {  	[hbm4b:s17+s3] =	stream.linear.scatter [tilespmem:s21], [sflag:s5], $0x400, $0x38;
	[tilespmem:$0x14A40] =	vst v63  }
0x32b: {  	s31 =	sor.u32 $0x10E00, s1;
	s21 =	sadd.s32 s0, s9  }
0x32c: {  	[hbm4b:s21+s3] =	stream.linear.scatter [tilespmem:s31], [sflag:s5], $0x400, $0x38;
	[tilespmem:$0x14A40] =	vst v63  }
0x32d: {  	s21 =	sadd.s32 s0, s10;
	s31 =	sor.u32 $0x11200, s1  }
0x32e: {  	[hbm4b:s21+s3] =	stream.linear.scatter [tilespmem:s31], [sflag:s5], $0x400, $0x38;
	[tilespmem:$0x14A40] =	vst v63  }
0x32f: {  	s21 =	sadd.s32 s0, s11;
	s31 =	sor.u32 $0x11600, s1  }
0x330: {  	[hbm4b:s21+s3] =	stream.linear.scatter [tilespmem:s31], [sflag:s5], $0x400, $0x38;
	[tilespmem:$0x14A40] =	vst v63  }
0x331: {  	s21 =	sadd.s32 s0, s12;
	s31 =	sor.u32 $0x11A00, s1  }
0x332: {  	[hbm4b:s21+s3] =	stream.linear.scatter [tilespmem:s31], [sflag:s5], $0x400, $0x38;
	[tilespmem:$0x14A40] =	vst v63  }
0x333: {  	p0 =	sne.s32 s29, $0xC8;
	s21 =	sadd.s32 s0, s13;
	s31 =	sor.u32 $0x11E00, s1  }
0x334: {  	[hbm4b:s21+s3] =	stream.linear.scatter [tilespmem:s31], [sflag:s5], $0x400, $0x38;
	[tilespmem:$0x14A40] =	vst v63  }
.Ltmp3:
0x335: {  	_ = 	snop;
	(pc) =	sbr.rel @p0 .LBB2_2-.Ltmp3, $4  }
0x336: {  	s21 =	sadd.s32 s0, s14;
	s31 =	sadd.s32 $0x12200, s1  }
0x337: {  	[hbm4b:s21+s3] =	stream.linear.scatter [tilespmem:s31], [sflag:s5], $0x400, $0x38;
	[tilespmem:$0x14A40] =	vst v63  }
0x338: {  	s30 =	smov.u32 s29;
	s0 =	sadd.s32 s0, s15;
	s31 =	sadd.s32 $0x12600, s1  }
0x339: {  	[hbm4b:s0+s3] =	stream.linear.scatter [tilespmem:s31], [sflag:s5], $0x400, $0x38;
	[tilespmem:$0x14A40] =	vst v63  }
0x33a: {  	s28 =	sadd.s32 $0x1, s28  }
0x33b: {  	_ =	swait.ge [sflag:s25], $0x2000;
	p0 =	sne.s32 s28, s16  }
.Ltmp4:
0x33c: {  	[sflag:s25] =	ssyncset.done $0x0;
	(pc) =	sbr.rel @p0 .LBB2_1-.Ltmp4, $4  }
0x33d: {  	[sflag:s25] =	ssyncadd.s32 $0xFFFFE000  }
0x33e: {  	_ =	swait.ge [sflag:s26], $0x2000  }
0x33f: {  	[sflag:s26] =	ssyncset.done $0x0  }
0x340: {  	[sflag:s26] =	ssyncadd.s32 $0xFFFFE000  }
0x341: {  	_ =	sfence.sel $0x180000  }
0x342: {  	[bflag:$0x0] =	sbarrier.arrive $0xFFFF  }
0x343: {  	_ =	strace $0x90000047  }
0x344: {  	s0 =	stileid.u32;
	[bflag:$0x2] =	sbarrier.arrive $0xFFFF  }
0x345: {  	p0 =	sne.s32 s0, $0x0;
	s0 =	rddreg [dreg:$0x4]  }
0x346: {  	s0 =	sadd.s32 @!p0 $0x100000, s0  }
0x347: {  	[sflag:s0] =	ssyncadd.tile.s32 @!p0 $0x1;
	_ =	shalt  }
.Lfunc_end2:
_tile_overlayer_lowered:
.L_overlay_start_2:
0x348: {  	(tag) =	ssettag $0x2  }
0x349: {  	s0 =	rddreg [dreg:$0x0];
	s2 =	stileid.u32  }
0x34a: {  	s1 =	rddreg [dreg:$0x1];
	p0 =	sne.s32 s2, $0x0  }
0x34b: {  	s3 =	rddreg [dreg:$0x2];
	[bflag:$0x3] =	sbarrier.arrive $0xFFFF;
	s2 =	simm.s32 @!p0 $0x1C05  }
0x34c: {  	[timem:s3], [sflag:s2] =	dma.local @!p0 [hbm:s0], s1  }
0x34d: {  	s0 =	simm.s32 @!p0 $0x5  }
0x34e: {  	_ =	swait.ge @!p0 [sflag:s0], s1  }
0x34f: {  	s1 =	ssub.s32 @!p0 $0x0, s1;
	[sflag:s0] =	ssyncset.done @!p0 $0x0  }
0x350: {  	[sflag:s0] =	ssyncadd.s32 @!p0 s1  }
0x351: {  	[bflag:$0x3] =	sbarrier.arrive $0xFFFF  }
0x352: {  	_ =	shalt  }

</sc_bundles>
